<compile_context>
chip_gen: v7x
topology: tpu7x:2x2x1
jax: 0.10.2.dev20260603
libtpu: 0.0.44.dev20260713+nightly
codegen_flags: <defaults>
</compile_context>

<pallas_src>
import functools

import jax
import jax.numpy as jnp
from jax import lax
from jax.experimental import pallas as pl
from jax.experimental.pallas import tpu as pltpu
from jax.experimental.pallas import tpu_sc as plsc

NS = 10
D = 128
HID = 128
OUT = 64
BLK = 512
CHUNK = 128
NWORKERS = 32


def _sc_gather_rows(table, idx, n_pad):
    cols = table.shape[1]
    mesh = plsc.VectorSubcoreMesh(core_axis_name="c", subcore_axis_name="s")
    idx2 = idx.reshape(1, n_pad)

    @functools.partial(
        pl.kernel,
        out_type=jax.ShapeDtypeStruct((n_pad, cols), table.dtype),
        mesh=mesh,
    )
    def gather_kernel(x_hbm, i_hbm, o_hbm):
        def body(i_vmem, o_vmem):
            pltpu.sync_copy(x_hbm.at[i_vmem.at[0]], o_vmem)

        pltpu.emit_pipeline(
            body,
            grid=(n_pad // CHUNK,),
            in_specs=[pl.BlockSpec((1, CHUNK), lambda i: (0, i))],
            out_specs=[pl.BlockSpec((CHUNK, cols), lambda i: (i, 0))],
            core_axis_name=("c", "s"),
            dimension_semantics=(pltpu.PARALLEL,),
        )(i_hbm, o_hbm)

    return gather_kernel(table, idx2)


def _make_tc_body(b, n_l0, nblk_l0, nblk_h1):
    inv_ns = 1.0 / NS

    def body(fs_ref, n0, n1, n2, n3, n4, n5, n6, n7, n8, n9,
             ws1_ref, wn1_ref, b1_ref, ws2_ref, wn2_ref, b2_ref,
             out_ref, acc_ref):
        i = pl.program_id(0)

        @pl.when(i == 0)
        def _():
            acc_ref[...] = jnp.zeros((n_l0, OUT), jnp.float32)

        fn = (n0[...] + n1[...] + n2[...] + n3[...] + n4[...] +
              n5[...] + n6[...] + n7[...] + n8[...] + n9[...]) * inv_ns
        h = jnp.maximum(
            jnp.dot(fs_ref[...], ws1_ref[...],
                    preferred_element_type=jnp.float32)
            + jnp.dot(fn, wn1_ref[...], preferred_element_type=jnp.float32)
            + b1_ref[...],
            0.0,
        )

        @pl.when(i < nblk_l0)
        def _():
            acc_ref[pl.ds(i * BLK, BLK), :] += jnp.dot(
                h, ws2_ref[...], preferred_element_type=jnp.float32)

        @pl.when(i >= nblk_l0)
        def _():
            j = lax.rem(i - nblk_l0, nblk_l0)
            acc_ref[pl.ds(j * BLK, BLK), :] += jnp.dot(
                h, wn2_ref[...], preferred_element_type=jnp.float32) * inv_ns

        @pl.when(i == nblk_h1 - 1)
        def _():
            emb = acc_ref[...] + b2_ref[...]
            nrm = jnp.maximum(
                jnp.sqrt(jnp.sum(emb * emb, axis=1, keepdims=True)), 1e-6)
            on = emb / nrm
            itm = on[0:b, :]
            rt = on[b:n_l0, :]
            p = lax.dot_general(rt, itm, (((1,), (1,)), ((), ())),
                                preferred_element_type=jnp.float32)
            rid = lax.broadcasted_iota(jnp.int32, (b * NS, b), 0)
            cid = lax.broadcasted_iota(jnp.int32, (b * NS, b), 1)
            sel = (rid >= cid * NS) & (rid < cid * NS + NS)
            out_ref[...] = jnp.sum(jnp.where(sel, p, 0.0), axis=0,
                                   keepdims=True)

    return body


def _tc_fused(fs_rows, fn_rows, b, ws1, wn1, b1, ws2, wn2, b2):
    n_l0 = b * (1 + NS)
    n_h1 = n_l0 * (1 + NS)
    nblk_l0 = n_l0 // BLK
    nblk_h1 = n_h1 // BLK
    in_specs = [pl.BlockSpec((BLK, D), lambda i: (i, 0))]
    for k in range(NS):
        in_specs.append(
            pl.BlockSpec((BLK, D), lambda i, kk=k: (nblk_h1 * kk + i, 0)))
    in_specs += [
        pl.BlockSpec((D, HID), lambda i: (0, 0)),
        pl.BlockSpec((D, HID), lambda i: (0, 0)),
        pl.BlockSpec((1, HID), lambda i: (0, 0)),
        pl.BlockSpec((HID, OUT), lambda i: (0, 0)),
        pl.BlockSpec((HID, OUT), lambda i: (0, 0)),
        pl.BlockSpec((1, OUT), lambda i: (0, 0)),
    ]
    return pl.pallas_call(
        _make_tc_body(b, n_l0, nblk_l0, nblk_h1),
        grid=(nblk_h1,),
        in_specs=in_specs,
        out_specs=pl.BlockSpec((1, b), lambda i: (0, 0)),
        out_shape=jax.ShapeDtypeStruct((1, b), jnp.float32),
        scratch_shapes=[pltpu.VMEM((n_l0, OUT), jnp.float32)],
    )(fs_rows, *([fn_rows] * NS), ws1, wn1, b1, ws2, wn2, b2)


def kernel(users, items, features, user_neighbors, kg_neighbors,
           W_self1, W_neigh1, b1, W_self2, W_neigh2, b2):
    b = users.shape[0]
    users = users.astype(jnp.int32)
    items = items.astype(jnp.int32)
    user_neighbors = user_neighbors.astype(jnp.int32)
    kg_neighbors = kg_neighbors.astype(jnp.int32)

    rated = jnp.take(user_neighbors, users, axis=0).reshape(-1)
    level0 = jnp.concatenate([items, rated])
    nbr0 = jnp.take(kg_neighbors, level0, axis=0)
    g = jnp.concatenate([level0, nbr0.T.reshape(-1)])
    nbg = jnp.take(kg_neighbors, g, axis=0)
    nb_idx = nbg.T.reshape(-1)

    step = NWORKERS * CHUNK

    def _pad(ix):
        n = ix.shape[0]
        n_pad = ((n + step - 1) // step) * step
        return jnp.concatenate([ix, jnp.zeros((n_pad - n,), jnp.int32)]), n_pad

    g_pad, n_g = _pad(g)
    nb_pad, n_nb = _pad(nb_idx)

    fs_rows = _sc_gather_rows(features, g_pad, n_g)
    fn_rows = _sc_gather_rows(features, nb_pad, n_nb)
    pred = _tc_fused(fs_rows, fn_rows, b, W_self1, W_neigh1,
                     b1.reshape(1, HID), W_self2, W_neigh2,
                     b2.reshape(1, OUT))
    return pred.reshape(b)

# --- scband reference (transcript-rebuilt; emitter-appended) ---
"""Pipeline reference for scband-graph-sagedglpredictor-32341103739258 (READ-ONLY COPY).

The authoritative reference and input builder live on the scoring server;
editing this copy changes nothing except your own understanding.
"""

import jax, jax.numpy as jnp
import numpy as np

N_USERS = 50000
N_ENT = 100000
D = 128      # in_feats (features.shape[-1])
HID = 128    # dim
OUT = 64     # n_classes hardcoded in module
NS = 10      # self.n_samples hardcoded
B = 512


def setup_inputs(seed: int = 0) -> dict:
    key = jax.random.key(seed)
    ks = jax.random.split(key, 12)
    users = jax.random.randint(ks[0], (B,), 0, N_USERS, dtype=jnp.int64) if jax.config.jax_enable_x64 else jax.random.randint(ks[0], (B,), 0, N_USERS)
    items = jax.random.randint(ks[1], (B,), 0, N_ENT)
    features = jax.random.normal(ks[2], (N_ENT, D), dtype=jnp.float32)
    # user collaborative-graph block: each user's NS sampled rated entities (replace=True)
    user_neighbors = jax.random.randint(ks[3], (N_USERS, NS), 0, N_ENT)
    # KG block sampler: NS sampled neighbors per entity (replace=True), shared across layers
    kg_neighbors = jax.random.randint(ks[4], (N_ENT, NS), 0, N_ENT)
    s1 = 1.0 / np.sqrt(D)
    s2 = 1.0 / np.sqrt(HID)
    W_self1 = jax.random.uniform(ks[5], (D, HID), minval=-s1, maxval=s1, dtype=jnp.float32)
    W_neigh1 = jax.random.uniform(ks[6], (D, HID), minval=-s1, maxval=s1, dtype=jnp.float32)
    b1 = jnp.zeros((HID,), dtype=jnp.float32)
    W_self2 = jax.random.uniform(ks[7], (HID, OUT), minval=-s2, maxval=s2, dtype=jnp.float32)
    W_neigh2 = jax.random.uniform(ks[8], (HID, OUT), minval=-s2, maxval=s2, dtype=jnp.float32)
    b2 = jnp.zeros((OUT,), dtype=jnp.float32)
    return {"users": users, "items": items, "features": features,
            "user_neighbors": user_neighbors, "kg_neighbors": kg_neighbors,
            "W_self1": W_self1, "W_neigh1": W_neigh1, "b1": b1,
            "W_self2": W_self2, "W_neigh2": W_neigh2, "b2": b2}


def reference(users, items, features, user_neighbors, kg_neighbors,
              W_self1, W_neigh1, b1, W_self2, W_neigh2, b2):
    # 2-layer GraphSAGE (mean aggregator, DGL SAGEConv semantics:
    # out = fc_self(h_self) + fc_neigh(mean(h_neigh)) + bias), ReLU between layers,
    # dropout=0 (eval). Fixed fan-out NS sampling replaces DGL MultiLayerNeighborSampler.
    def h1(n):  # first SAGE layer embedding for node ids n: [K]
        nb = jnp.take(kg_neighbors, n, axis=0)                      # [K, NS]
        fs = jnp.take(features, n, axis=0)                          # [K, D]
        fn = jnp.take(features, nb.reshape(-1), axis=0)
        fn = fn.reshape(n.shape[0], NS, D).mean(axis=1)             # [K, D]
        return jax.nn.relu(fs @ W_self1 + fn @ W_neigh1 + b1)       # [K, HID]

    def sage_emb(nodes):  # full 2-layer embedding for node ids: [M]
        M = nodes.shape[0]
        nbr = jnp.take(kg_neighbors, nodes, axis=0)                 # [M, NS]
        h_self = h1(nodes)                                          # [M, HID]
        h_nbr = h1(nbr.reshape(-1)).reshape(M, NS, HID).mean(axis=1)
        return h_self @ W_self2 + h_nbr @ W_neigh2 + b2             # [M, OUT]

    # user collator: NS rated entities per user -> source edges
    rated = jnp.take(user_neighbors, users, axis=0).reshape(-1)     # [B*NS]
    item_emb = sage_emb(items)                                      # [B, OUT]
    rated_emb = sage_emb(rated)                                     # [B*NS, OUT]
    # rank_all=False path: cosine similarity (eps=1e-6), sum over NS samples
    item_rep = jnp.repeat(item_emb, NS, axis=0)                     # [B*NS, OUT]
    num = jnp.sum(rated_emb * item_rep, axis=1)
    denom = jnp.maximum(jnp.linalg.norm(rated_emb, axis=1), 1e-6) * \
            jnp.maximum(jnp.linalg.norm(item_rep, axis=1), 1e-6)
    sim = num / denom
    pred = sim.reshape(B, NS).sum(axis=1)                           # [B]
    return pred

if __name__ == "__main__":
    import jax
    _d = setup_inputs()
    print(jax.jit(kernel)(*tuple(_d.values())))

</pallas_src>

<mosaic_0001>
#map = affine_map<(d0, d1) -> (0, 0)>
module attributes {stable_mosaic.version = 14 : i64} {
  func.func @gather_kernel(%arg0: i32, %arg1: i32, %arg2: memref<100000x128xf32, #tpu.memory_space<hbm>>, %arg3: memref<1x65536xi32, #tpu.memory_space<hbm>>, %arg4: memref<65536x128xf32, #tpu.memory_space<hbm>>) attributes {dimension_semantics = [#tpu.dimension_semantics<core_parallel>, #tpu.dimension_semantics<subcore_parallel>], iteration_bounds = array<i64: 2, 16>, scalar_prefetch = 0 : i64, scratch_operands = 0 : i64, tpu.core_type = #tpu.core_type<sc_vector_subcore>, window_params = [{transform_indices = #map}, {transform_indices = #map}, {transform_indices = #map}]} {
    %mul3A = arith.constant 1 : i32
    %mul3A_0 = arith.muli %arg1, %mul3A : i32
    %add3A = arith.constant 0 : i32
    %add3A_1 = arith.addi %add3A, %mul3A_0 : i32
    %mul3A_2 = arith.constant 16 : i32
    %mul3A_3 = arith.muli %arg0, %mul3A_2 : i32
    %add3A_4 = arith.addi %add3A_1, %mul3A_3 : i32
    %mul3A_5 = arith.constant 16 : i32
    %mul3A_6 = arith.muli %add3A_4, %mul3A_5 : i32
    "tpu.region"() ({
      %run_scoped3A = memref.alloca() : memref<2x1x128xi32, #tpu.memory_space<vmem>>
      %run_scoped3A_7 = tpu.sem_alloc : memref<2x!tpu.dma_semaphore, #tpu.memory_space<semaphore_mem>>
      %run_scoped3A_8 = memref.alloca() : memref<2x128x128xf32, #tpu.memory_space<vmem>>
      %run_scoped3A_9 = tpu.sem_alloc : memref<2x!tpu.dma_semaphore, #tpu.memory_space<semaphore_mem>>
      %add3A_10 = arith.constant 0 : i32
      %add3A_11 = arith.addi %add3A_10, %mul3A_6 : i32
      %select_n3A = arith.constant true
      %select_n3A_12 = arith.constant 0 : i32
      %select_n3A_13 = arith.constant -1 : i32
      %select_n3A_14 = arith.select %select_n3A, %select_n3A_13, %select_n3A_12 : i32
      %eq3A = arith.constant -1 : i32
      %eq3A_15 = arith.cmpi eq, %select_n3A_14, %eq3A : i32
      %select_n3A_16 = arith.constant 15 : i32
      %select_n3A_17 = arith.select %eq3A_15, %select_n3A_16, %select_n3A_14 : i32
      %add3A_18 = arith.addi %select_n3A_17, %mul3A_6 : i32
      %select_n3A_19 = arith.constant true
      %select_n3A_20 = arith.constant 0 : i32
      %select_n3A_21 = arith.constant 1 : i32
      %select_n3A_22 = arith.select %select_n3A_19, %select_n3A_21, %select_n3A_20 : i32
      %eq3A_23 = arith.constant 16 : i32
      %eq3A_24 = arith.cmpi eq, %select_n3A_22, %eq3A_23 : i32
      %select_n3A_25 = arith.constant 0 : i32
      %select_n3A_26 = arith.select %eq3A_24, %select_n3A_25, %select_n3A_22 : i32
      %add3A_27 = arith.addi %select_n3A_26, %mul3A_6 : i32
      %add3A_28 = arith.constant 1 : i32
      %add3A_29 = arith.addi %select_n3A_26, %add3A_28 : i32
      %select_n3A_30 = arith.constant true
      %select_n3A_31 = arith.select %select_n3A_30, %add3A_29, %select_n3A_26 : i32
      %eq3A_32 = arith.constant 16 : i32
      %eq3A_33 = arith.cmpi eq, %select_n3A_31, %eq3A_32 : i32
      %select_n3A_34 = arith.constant 0 : i32
      %select_n3A_35 = arith.select %eq3A_33, %select_n3A_34, %select_n3A_31 : i32
      %add3A_36 = arith.addi %select_n3A_35, %mul3A_6 : i32
      "tpu.trace_start"() <{level = 10 : i32, message = "ep_initialize_0"}> : () -> ()
      %rem3A = arith.constant 0 : i32
      %rem3A_37 = arith.constant 2 : i32
      %rem3A_38 = arith.remui %rem3A, %rem3A_37 : i32
      %mul3A_39 = arith.constant 128 : i32
      %mul3A_40 = arith.muli %mul3A_39, %add3A_11 : i32
      %dma_start3A = arith.constant 0 : i32
      %dma_start3A_41 = arith.constant 0 : i32
      %dma_start3A_42 = tpu.memref_slice %run_scoped3A[%rem3A_38, %dma_start3A, %dma_start3A_41] : memref<2x1x128xi32, #tpu.memory_space<vmem>> -> memref<1x1x128xi32, #tpu.memory_space<vmem>>
      %dma_start3A_43 = tpu.memref_squeeze %dma_start3A_42 : memref<1x1x128xi32, #tpu.memory_space<vmem>> -> memref<1x128xi32, #tpu.memory_space<vmem>>
      %dma_start3A_44 = arith.constant 0 : i32
      %dma_start3A_45 = tpu.memref_slice %arg3[%dma_start3A_44, %mul3A_40] : memref<1x65536xi32, #tpu.memory_space<hbm>> -> memref<1x128xi32, #tpu.memory_space<hbm>>
      %dma_start3A_46 = tpu.memref_slice %run_scoped3A_7[%rem3A_38] : memref<2x!tpu.dma_semaphore, #tpu.memory_space<semaphore_mem>> -> memref<1x!tpu.dma_semaphore, #tpu.memory_space<semaphore_mem>>
      %dma_start3A_47 = tpu.memref_squeeze %dma_start3A_46 : memref<1x!tpu.dma_semaphore, #tpu.memory_space<semaphore_mem>> -> memref<!tpu.dma_semaphore, #tpu.memory_space<semaphore_mem>>
      %dma_start3A_48 = arith.constant 0 : i32
      %dma_start3A_49 = arith.constant 0 : i32
      %dma_start3A_50 = tpu.memref_slice %run_scoped3A[%rem3A_38, %dma_start3A_48, %dma_start3A_49] : memref<2x1x128xi32, #tpu.memory_space<vmem>> -> memref<1x1x128xi32, #tpu.memory_space<vmem>>
      %dma_start3A_51 = tpu.memref_squeeze %dma_start3A_50 : memref<1x1x128xi32, #tpu.memory_space<vmem>> -> memref<1x128xi32, #tpu.memory_space<vmem>>
      %dma_start3A_52 = arith.constant 0 : i32
      %dma_start3A_53 = tpu.memref_slice %arg3[%dma_start3A_52, %mul3A_40] : memref<1x65536xi32, #tpu.memory_space<hbm>> -> memref<1x128xi32, #tpu.memory_space<hbm>>
      tpu.enqueue_dma source(%dma_start3A_53 : memref<1x128xi32, #tpu.memory_space<hbm>>) target(%dma_start3A_51 : memref<1x128xi32, #tpu.memory_space<vmem>>) target_semaphore(%dma_start3A_47 : memref<!tpu.dma_semaphore, #tpu.memory_space<semaphore_mem>>)
      %add3A_54 = arith.constant 0 : i32
      %add3A_55 = arith.constant 1 : i32
      %add3A_56 = arith.addi %add3A_54, %add3A_55 : i32
      %select_n3A_57 = arith.constant true
      %select_n3A_58 = arith.constant 0 : i32
      %select_n3A_59 = arith.select %select_n3A_57, %add3A_56, %select_n3A_58 : i32
      "tpu.trace_stop"() : () -> ()
      %scan3A = arith.constant 0 : i32
      %scan3A_60 = arith.constant 0 : i32
      %scan3A_61 = arith.constant 0 : i32
      %scan3A_62 = arith.constant 0 : i32
      %scan3A_63 = arith.constant 0 : i32
      %scan3A_64 = arith.constant 16 : i32
      %scan3A_65 = arith.addi %scan3A_63, %scan3A_64 : i32
      %scan3A_66 = arith.constant 1 : i32
      %scan3A_67:5 = scf.for %scan3A_121 = %scan3A_63 to %scan3A_65 step %scan3A_66 iter_args(%scan3A_122 = %select_n3A_59, %scan3A_123 = %scan3A, %scan3A_124 = %scan3A_60, %scan3A_125 = %scan3A_61, %scan3A_126 = %scan3A_62) -> (i32, i32, i32, i32, i32)  : i32 {
        %eq3A_127 = arith.constant 0 : i32
        %eq3A_128 = arith.cmpi eq, %scan3A_121, %eq3A_127 : i32
        %eq3A_129 = arith.constant 15 : i32
        %eq3A_130 = arith.cmpi eq, %scan3A_121, %eq3A_129 : i32
        %add3A_131 = arith.addi %scan3A_126, %mul3A_6 : i32
        %sub3A_132 = arith.constant 1 : i32
        %sub3A_133 = arith.subi %scan3A_126, %sub3A_132 : i32
        %select_n3A_134 = arith.constant true
        %select_n3A_135 = arith.select %select_n3A_134, %sub3A_133, %scan3A_126 : i32
        %eq3A_136 = arith.constant -1 : i32
        %eq3A_137 = arith.cmpi eq, %select_n3A_135, %eq3A_136 : i32
        %select_n3A_138 = arith.constant 15 : i32
        %select_n3A_139 = arith.select %eq3A_137, %select_n3A_138, %select_n3A_135 : i32
        %add3A_140 = arith.addi %select_n3A_139, %mul3A_6 : i32
        %add3A_141 = arith.constant 1 : i32
        %add3A_142 = arith.addi %scan3A_126, %add3A_141 : i32
        %select_n3A_143 = arith.constant true
        %select_n3A_144 = arith.select %select_n3A_143, %add3A_142, %scan3A_126 : i32
        %eq3A_145 = arith.constant 16 : i32
        %eq3A_146 = arith.cmpi eq, %select_n3A_144, %eq3A_145 : i32
        %select_n3A_147 = arith.constant 0 : i32
        %select_n3A_148 = arith.select %eq3A_146, %select_n3A_147, %select_n3A_144 : i32
        %add3A_149 = arith.addi %select_n3A_148, %mul3A_6 : i32
        %add3A_150 = arith.constant 1 : i32
        %add3A_151 = arith.addi %select_n3A_148, %add3A_150 : i32
        %select_n3A_152 = arith.constant true
        %select_n3A_153 = arith.select %select_n3A_152, %add3A_151, %select_n3A_148 : i32
        %eq3A_154 = arith.constant 16 : i32
        %eq3A_155 = arith.cmpi eq, %select_n3A_153, %eq3A_154 : i32
        %select_n3A_156 = arith.constant 0 : i32
        %select_n3A_157 = arith.select %eq3A_155, %select_n3A_156, %select_n3A_153 : i32
        %add3A_158 = arith.addi %select_n3A_157, %mul3A_6 : i32
        %ne3A = arith.cmpi ne, %add3A_131, %add3A_149 : i32
        %or3A = arith.constant false
        %or3A_159 = arith.ori %or3A, %ne3A : i1
        %ge3A = arith.constant 15 : i32
        %ge3A_160 = arith.cmpi sge, %scan3A_121, %ge3A : i32
        %not3A = arith.constant true
        %not3A_161 = arith.xori %ge3A_160, %not3A : i1
        %and3A = arith.andi %or3A_159, %not3A_161 : i1
        %convert_element_type3A = arith.extui %and3A : i1 to i32
        %cond3A = arith.constant 0 : i32
        %cond3A_162 = arith.cmpi ne, %convert_element_type3A, %cond3A : i32
        scf.if %cond3A_162 {
          "tpu.trace_start"() <{level = 10 : i32, message = "ep_copy_in"}> : () -> ()
          %rem3A_264 = arith.constant 2 : i32
          %rem3A_265 = arith.remui %scan3A_122, %rem3A_264 : i32
          %mul3A_266 = arith.constant 128 : i32
          %mul3A_267 = arith.muli %mul3A_266, %add3A_149 : i32
          %dma_start3A_268 = arith.constant 0 : i32
          %dma_start3A_269 = arith.constant 0 : i32
          %dma_start3A_270 = tpu.memref_slice %run_scoped3A[%rem3A_265, %dma_start3A_268, %dma_start3A_269] : memref<2x1x128xi32, #tpu.memory_space<vmem>> -> memref<1x1x128xi32, #tpu.memory_space<vmem>>
          %dma_start3A_271 = tpu.memref_squeeze %dma_start3A_270 : memref<1x1x128xi32, #tpu.memory_space<vmem>> -> memref<1x128xi32, #tpu.memory_space<vmem>>
          %dma_start3A_272 = arith.constant 0 : i32
          %dma_start3A_273 = tpu.memref_slice %arg3[%dma_start3A_272, %mul3A_267] : memref<1x65536xi32, #tpu.memory_space<hbm>> -> memref<1x128xi32, #tpu.memory_space<hbm>>
          %dma_start3A_274 = tpu.memref_slice %run_scoped3A_7[%rem3A_265] : memref<2x!tpu.dma_semaphore, #tpu.memory_space<semaphore_mem>> -> memref<1x!tpu.dma_semaphore, #tpu.memory_space<semaphore_mem>>
          %dma_start3A_275 = tpu.memref_squeeze %dma_start3A_274 : memref<1x!tpu.dma_semaphore, #tpu.memory_space<semaphore_mem>> -> memref<!tpu.dma_semaphore, #tpu.memory_space<semaphore_mem>>
          %dma_start3A_276 = arith.constant 0 : i32
          %dma_start3A_277 = arith.constant 0 : i32
          %dma_start3A_278 = tpu.memref_slice %run_scoped3A[%rem3A_265, %dma_start3A_276, %dma_start3A_277] : memref<2x1x128xi32, #tpu.memory_space<vmem>> -> memref<1x1x128xi32, #tpu.memory_space<vmem>>
          %dma_start3A_279 = tpu.memref_squeeze %dma_start3A_278 : memref<1x1x128xi32, #tpu.memory_space<vmem>> -> memref<1x128xi32, #tpu.memory_space<vmem>>
          %dma_start3A_280 = arith.constant 0 : i32
          %dma_start3A_281 = tpu.memref_slice %arg3[%dma_start3A_280, %mul3A_267] : memref<1x65536xi32, #tpu.memory_space<hbm>> -> memref<1x128xi32, #tpu.memory_space<hbm>>
          tpu.enqueue_dma source(%dma_start3A_281 : memref<1x128xi32, #tpu.memory_space<hbm>>) target(%dma_start3A_279 : memref<1x128xi32, #tpu.memory_space<vmem>>) target_semaphore(%dma_start3A_275 : memref<!tpu.dma_semaphore, #tpu.memory_space<semaphore_mem>>)
          "tpu.trace_stop"() : () -> ()
        } else {
        }
        %and3A_163 = arith.constant true
        %and3A_164 = arith.andi %and3A, %and3A_163 : i1
        %add3A_165 = arith.constant 1 : i32
        %add3A_166 = arith.addi %scan3A_122, %add3A_165 : i32
        %select_n3A_167 = arith.select %and3A_164, %add3A_166, %scan3A_122 : i32
        %ne3A_168 = arith.cmpi ne, %add3A_131, %add3A_149 : i32
        %or3A_169 = arith.constant false
        %or3A_170 = arith.ori %or3A_169, %ne3A_168 : i1
        %or3A_171 = arith.constant false
        %or3A_172 = arith.ori %or3A_170, %or3A_171 : i1
        %ge3A_173 = arith.constant 15 : i32
        %ge3A_174 = arith.cmpi sge, %scan3A_121, %ge3A_173 : i32
        %not3A_175 = arith.constant true
        %not3A_176 = arith.xori %ge3A_174, %not3A_175 : i1
        %and3A_177 = arith.andi %or3A_172, %not3A_176 : i1
        %ne3A_178 = arith.cmpi ne, %add3A_131, %add3A_140 : i32
        %or3A_179 = arith.constant false
        %or3A_180 = arith.ori %or3A_179, %ne3A_178 : i1
        %or3A_181 = arith.ori %or3A_180, %eq3A_128 : i1
        %convert_element_type3A_182 = arith.extui %or3A_181 : i1 to i32
        %cond3A_183 = arith.constant 0 : i32
        %cond3A_184 = arith.cmpi ne, %convert_element_type3A_182, %cond3A_183 : i32
        scf.if %cond3A_184 {
          "tpu.trace_start"() <{level = 10 : i32, message = "ep_wait_in"}> : () -> ()
          %mul3A_264 = arith.constant 128 : i32
          %mul3A_265 = arith.muli %mul3A_264, %add3A_131 : i32
          %rem3A_266 = arith.constant 2 : i32
          %rem3A_267 = arith.remui %scan3A_123, %rem3A_266 : i32
          %dma_wait3A_268 = arith.constant 0 : i32
          %dma_wait3A_269 = arith.constant 0 : i32
          %dma_wait3A_270 = tpu.memref_slice %run_scoped3A[%rem3A_267, %dma_wait3A_268, %dma_wait3A_269] : memref<2x1x128xi32, #tpu.memory_space<vmem>> -> memref<1x1x128xi32, #tpu.memory_space<vmem>>
          %dma_wait3A_271 = tpu.memref_squeeze %dma_wait3A_270 : memref<1x1x128xi32, #tpu.memory_space<vmem>> -> memref<1x128xi32, #tpu.memory_space<vmem>>
          %dma_wait3A_272 = arith.constant 0 : i32
          %dma_wait3A_273 = tpu.memref_slice %arg3[%dma_wait3A_272, %mul3A_265] : memref<1x65536xi32, #tpu.memory_space<hbm>> -> memref<1x128xi32, #tpu.memory_space<hbm>>
          %dma_wait3A_274 = tpu.memref_slice %run_scoped3A_7[%rem3A_267] : memref<2x!tpu.dma_semaphore, #tpu.memory_space<semaphore_mem>> -> memref<1x!tpu.dma_semaphore, #tpu.memory_space<semaphore_mem>>
          %dma_wait3A_275 = tpu.memref_squeeze %dma_wait3A_274 : memref<1x!tpu.dma_semaphore, #tpu.memory_space<semaphore_mem>> -> memref<!tpu.dma_semaphore, #tpu.memory_space<semaphore_mem>>
          %dma_wait3A_276 = arith.constant 0 : i32
          %dma_wait3A_277 = arith.constant 0 : i32
          %dma_wait3A_278 = tpu.memref_slice %run_scoped3A[%rem3A_267, %dma_wait3A_276, %dma_wait3A_277] : memref<2x1x128xi32, #tpu.memory_space<vmem>> -> memref<1x1x128xi32, #tpu.memory_space<vmem>>
          %dma_wait3A_279 = tpu.memref_squeeze %dma_wait3A_278 : memref<1x1x128xi32, #tpu.memory_space<vmem>> -> memref<1x128xi32, #tpu.memory_space<vmem>>
          %dma_wait3A_280 = arith.constant 0 : i32
          %dma_wait3A_281 = tpu.memref_slice %arg3[%dma_wait3A_280, %mul3A_265] : memref<1x65536xi32, #tpu.memory_space<hbm>> -> memref<1x128xi32, #tpu.memory_space<hbm>>
          tpu.wait_dma2 semaphore(%dma_wait3A_275 : memref<!tpu.dma_semaphore, #tpu.memory_space<semaphore_mem>>) src(%dma_wait3A_281 : memref<1x128xi32, #tpu.memory_space<hbm>>) dst(%dma_wait3A_279 : memref<1x128xi32, #tpu.memory_space<vmem>>)
          "tpu.trace_stop"() : () -> ()
        } else {
        }
        %ne3A_185 = arith.cmpi ne, %add3A_131, %add3A_140 : i32
        %or3A_186 = arith.constant false
        %or3A_187 = arith.ori %or3A_186, %ne3A_185 : i1
        %or3A_188 = arith.constant false
        %or3A_189 = arith.ori %or3A_187, %or3A_188 : i1
        %or3A_190 = arith.ori %or3A_189, %eq3A_128 : i1
        %convert_element_type3A_191 = arith.extui %or3A_190 : i1 to i32
        %cond3A_192 = arith.constant 0 : i32
        %cond3A_193 = arith.cmpi ne, %convert_element_type3A_191, %cond3A_192 : i32
        scf.if %cond3A_193 {
        } else {
        }
        %rem3A_194 = arith.constant 2 : i32
        %rem3A_195 = arith.remui %scan3A_123, %rem3A_194 : i32
        %rem3A_196 = arith.constant 2 : i32
        %rem3A_197 = arith.remui %scan3A_124, %rem3A_196 : i32
        %run_scoped3A_198 = arith.constant 0 : i32
        "tpu.trace_start"() <{level = 10 : i32, message = "ep_run_kernel"}> : () -> ()
        "tpu.region"() ({
          %run_scoped3A_264 = tpu.sem_alloc : memref<!tpu.dma_semaphore, #tpu.memory_space<semaphore_mem>>
          %dma_start3A_265 = arith.constant 0 : i32
          %dma_start3A_266 = arith.constant 0 : i32
          %dma_start3A_267 = tpu.memref_slice %run_scoped3A_8[%rem3A_197, %dma_start3A_265, %dma_start3A_266] : memref<2x128x128xf32, #tpu.memory_space<vmem>> -> memref<1x128x128xf32, #tpu.memory_space<vmem>>
          %dma_start3A_268 = tpu.memref_squeeze %dma_start3A_267 : memref<1x128x128xf32, #tpu.memory_space<vmem>> -> memref<128x128xf32, #tpu.memory_space<vmem>>
          %dma_start3A_269 = arith.constant 0 : i32
          %dma_start3A_270 = arith.constant 0 : i32
          %dma_start3A_271 = tpu.memref_slice %run_scoped3A[%rem3A_195, %dma_start3A_269, %dma_start3A_270] : memref<2x1x128xi32, #tpu.memory_space<vmem>> -> memref<1x1x128xi32, #tpu.memory_space<vmem>>
          %dma_start3A_272 = tpu.memref_squeeze %dma_start3A_271 : memref<1x1x128xi32, #tpu.memory_space<vmem>> -> memref<1x128xi32, #tpu.memory_space<vmem>>
          %dma_start3A_273 = arith.constant 0 : i32
          %dma_start3A_274 = tpu.memref_slice %dma_start3A_272[%run_scoped3A_198, %dma_start3A_273] : memref<1x128xi32, #tpu.memory_space<vmem>> -> memref<1x128xi32, #tpu.memory_space<vmem>>
          %dma_start3A_275 = tpu.memref_squeeze %dma_start3A_274 : memref<1x128xi32, #tpu.memory_space<vmem>> -> memref<128xi32, #tpu.memory_space<vmem>>
          %dma_start3A_276 = arith.constant 0 : i32
          %dma_start3A_277 = arith.constant 0 : i32
          %dma_start3A_278 = tpu.memref_slice %arg2[%dma_start3A_276, %dma_start3A_277] : memref<100000x128xf32, #tpu.memory_space<hbm>> -> memref<100000x128xf32, #tpu.memory_space<hbm>>
          tpu.enqueue_indirect_dma source(%dma_start3A_278 : memref<100000x128xf32, #tpu.memory_space<hbm>>) target(%dma_start3A_268 : memref<128x128xf32, #tpu.memory_space<vmem>>) offsets(%dma_start3A_275 : memref<128xi32, #tpu.memory_space<vmem>>) semaphore(%run_scoped3A_264 : memref<!tpu.dma_semaphore, #tpu.memory_space<semaphore_mem>>)
          %dma_wait3A_279 = arith.constant 0 : i32
          %dma_wait3A_280 = arith.constant 0 : i32
          %dma_wait3A_281 = tpu.memref_slice %run_scoped3A_8[%rem3A_197, %dma_wait3A_279, %dma_wait3A_280] : memref<2x128x128xf32, #tpu.memory_space<vmem>> -> memref<1x128x128xf32, #tpu.memory_space<vmem>>
          %dma_wait3A_282 = tpu.memref_squeeze %dma_wait3A_281 : memref<1x128x128xf32, #tpu.memory_space<vmem>> -> memref<128x128xf32, #tpu.memory_space<vmem>>
          %dma_wait3A_283 = arith.constant 0 : i32
          %dma_wait3A_284 = arith.constant 0 : i32
          %dma_wait3A_285 = tpu.memref_slice %run_scoped3A[%rem3A_195, %dma_wait3A_283, %dma_wait3A_284] : memref<2x1x128xi32, #tpu.memory_space<vmem>> -> memref<1x1x128xi32, #tpu.memory_space<vmem>>
          %dma_wait3A_286 = tpu.memref_squeeze %dma_wait3A_285 : memref<1x1x128xi32, #tpu.memory_space<vmem>> -> memref<1x128xi32, #tpu.memory_space<vmem>>
          %dma_wait3A_287 = arith.constant 0 : i32
          %dma_wait3A_288 = tpu.memref_slice %dma_wait3A_286[%run_scoped3A_198, %dma_wait3A_287] : memref<1x128xi32, #tpu.memory_space<vmem>> -> memref<1x128xi32, #tpu.memory_space<vmem>>
          %dma_wait3A_289 = tpu.memref_squeeze %dma_wait3A_288 : memref<1x128xi32, #tpu.memory_space<vmem>> -> memref<128xi32, #tpu.memory_space<vmem>>
          %dma_wait3A_290 = arith.constant 0 : i32
          %dma_wait3A_291 = arith.constant 0 : i32
          %dma_wait3A_292 = tpu.memref_slice %arg2[%dma_wait3A_290, %dma_wait3A_291] : memref<100000x128xf32, #tpu.memory_space<hbm>> -> memref<100000x128xf32, #tpu.memory_space<hbm>>
          tpu.wait_indirect_dma semaphore(%run_scoped3A_264 : memref<!tpu.dma_semaphore, #tpu.memory_space<semaphore_mem>>) src(%dma_wait3A_292 : memref<100000x128xf32, #tpu.memory_space<hbm>>) dst(%dma_wait3A_282 : memref<128x128xf32, #tpu.memory_space<vmem>>)
          tpu.yield
        }) : () -> ()
        "tpu.trace_stop"() : () -> ()
        %ne3A_199 = arith.cmpi ne, %add3A_131, %add3A_149 : i32
        %or3A_200 = arith.constant false
        %or3A_201 = arith.ori %or3A_200, %ne3A_199 : i1
        %or3A_202 = arith.ori %or3A_201, %eq3A_130 : i1
        %convert_element_type3A_203 = arith.extui %or3A_202 : i1 to i32
        %cond3A_204 = arith.constant 0 : i32
        %cond3A_205 = arith.cmpi ne, %convert_element_type3A_203, %cond3A_204 : i32
        scf.if %cond3A_205 {
        } else {
        }
        %and3A_206 = arith.constant false
        %and3A_207 = arith.andi %or3A_202, %and3A_206 : i1
        %ne3A_208 = arith.cmpi ne, %add3A_131, %add3A_149 : i32
        %or3A_209 = arith.constant false
        %or3A_210 = arith.ori %or3A_209, %ne3A_208 : i1
        %or3A_211 = arith.constant false
        %or3A_212 = arith.ori %or3A_210, %or3A_211 : i1
        %or3A_213 = arith.ori %or3A_212, %eq3A_130 : i1
        %convert_element_type3A_214 = arith.extui %or3A_213 : i1 to i32
        %cond3A_215 = arith.constant 0 : i32
        %cond3A_216 = arith.cmpi ne, %convert_element_type3A_214, %cond3A_215 : i32
        scf.if %cond3A_216 {
          "tpu.trace_start"() <{level = 10 : i32, message = "ep_copy_out"}> : () -> ()
          %rem3A_264 = arith.constant 2 : i32
          %rem3A_265 = arith.remui %scan3A_124, %rem3A_264 : i32
          %mul3A_266 = arith.constant 128 : i32
          %mul3A_267 = arith.muli %mul3A_266, %add3A_131 : i32
          %dma_start3A_268 = arith.constant 0 : i32
          %dma_start3A_269 = arith.constant 0 : i32
          %dma_start3A_270 = tpu.memref_slice %run_scoped3A_8[%rem3A_265, %dma_start3A_268, %dma_start3A_269] : memref<2x128x128xf32, #tpu.memory_space<vmem>> -> memref<1x128x128xf32, #tpu.memory_space<vmem>>
          %dma_start3A_271 = tpu.memref_squeeze %dma_start3A_270 : memref<1x128x128xf32, #tpu.memory_space<vmem>> -> memref<128x128xf32, #tpu.memory_space<vmem>>
          %dma_start3A_272 = arith.constant 0 : i32
          %dma_start3A_273 = tpu.memref_slice %arg4[%mul3A_267, %dma_start3A_272] : memref<65536x128xf32, #tpu.memory_space<hbm>> -> memref<128x128xf32, #tpu.memory_space<hbm>>
          %dma_start3A_274 = tpu.memref_slice %run_scoped3A_9[%rem3A_265] : memref<2x!tpu.dma_semaphore, #tpu.memory_space<semaphore_mem>> -> memref<1x!tpu.dma_semaphore, #tpu.memory_space<semaphore_mem>>
          %dma_start3A_275 = tpu.memref_squeeze %dma_start3A_274 : memref<1x!tpu.dma_semaphore, #tpu.memory_space<semaphore_mem>> -> memref<!tpu.dma_semaphore, #tpu.memory_space<semaphore_mem>>
          %dma_start3A_276 = arith.constant 0 : i32
          %dma_start3A_277 = tpu.memref_slice %arg4[%mul3A_267, %dma_start3A_276] : memref<65536x128xf32, #tpu.memory_space<hbm>> -> memref<128x128xf32, #tpu.memory_space<hbm>>
          %dma_start3A_278 = arith.constant 0 : i32
          %dma_start3A_279 = arith.constant 0 : i32
          %dma_start3A_280 = tpu.memref_slice %run_scoped3A_8[%rem3A_265, %dma_start3A_278, %dma_start3A_279] : memref<2x128x128xf32, #tpu.memory_space<vmem>> -> memref<1x128x128xf32, #tpu.memory_space<vmem>>
          %dma_start3A_281 = tpu.memref_squeeze %dma_start3A_280 : memref<1x128x128xf32, #tpu.memory_space<vmem>> -> memref<128x128xf32, #tpu.memory_space<vmem>>
          tpu.enqueue_dma source(%dma_start3A_281 : memref<128x128xf32, #tpu.memory_space<vmem>>) target(%dma_start3A_277 : memref<128x128xf32, #tpu.memory_space<hbm>>) target_semaphore(%dma_start3A_275 : memref<!tpu.dma_semaphore, #tpu.memory_space<semaphore_mem>>)
          "tpu.trace_stop"() : () -> ()
        } else {
        }
        %and3A_217 = arith.constant true
        %and3A_218 = arith.andi %or3A_213, %and3A_217 : i1
        %add3A_219 = arith.constant 1 : i32
        %add3A_220 = arith.addi %scan3A_124, %add3A_219 : i32
        %select_n3A_221 = arith.select %and3A_218, %add3A_220, %scan3A_124 : i32
        %ne3A_222 = arith.cmpi ne, %add3A_131, %add3A_140 : i32
        %or3A_223 = arith.constant false
        %or3A_224 = arith.ori %or3A_223, %ne3A_222 : i1
        %not3A_225 = arith.constant true
        %not3A_226 = arith.xori %eq3A_128, %not3A_225 : i1
        %and3A_227 = arith.andi %or3A_224, %not3A_226 : i1
        %convert_element_type3A_228 = arith.extui %and3A_227 : i1 to i32
        %cond3A_229 = arith.constant 0 : i32
        %cond3A_230 = arith.cmpi ne, %convert_element_type3A_228, %cond3A_229 : i32
        scf.if %cond3A_230 {
        } else {
        }
        %and3A_231 = arith.constant false
        %and3A_232 = arith.andi %and3A_227, %and3A_231 : i1
        %ne3A_233 = arith.cmpi ne, %add3A_131, %add3A_140 : i32
        %or3A_234 = arith.constant false
        %or3A_235 = arith.ori %or3A_234, %ne3A_233 : i1
        %or3A_236 = arith.constant false
        %or3A_237 = arith.ori %or3A_235, %or3A_236 : i1
        %not3A_238 = arith.constant true
        %not3A_239 = arith.xori %eq3A_128, %not3A_238 : i1
        %and3A_240 = arith.andi %or3A_237, %not3A_239 : i1
        %convert_element_type3A_241 = arith.extui %and3A_240 : i1 to i32
        %cond3A_242 = arith.constant 0 : i32
        %cond3A_243 = arith.cmpi ne, %convert_element_type3A_241, %cond3A_242 : i32
        scf.if %cond3A_243 {
          "tpu.trace_start"() <{level = 10 : i32, message = "ep_wait_out"}> : () -> ()
          %rem3A_264 = arith.constant 2 : i32
          %rem3A_265 = arith.remui %scan3A_125, %rem3A_264 : i32
          %mul3A_266 = arith.constant 128 : i32
          %mul3A_267 = arith.muli %mul3A_266, %add3A_140 : i32
          %dma_wait3A_268 = arith.constant 0 : i32
          %dma_wait3A_269 = arith.constant 0 : i32
          %dma_wait3A_270 = tpu.memref_slice %run_scoped3A_8[%rem3A_265, %dma_wait3A_268, %dma_wait3A_269] : memref<2x128x128xf32, #tpu.memory_space<vmem>> -> memref<1x128x128xf32, #tpu.memory_space<vmem>>
          %dma_wait3A_271 = tpu.memref_squeeze %dma_wait3A_270 : memref<1x128x128xf32, #tpu.memory_space<vmem>> -> memref<128x128xf32, #tpu.memory_space<vmem>>
          %dma_wait3A_272 = arith.constant 0 : i32
          %dma_wait3A_273 = tpu.memref_slice %arg4[%mul3A_267, %dma_wait3A_272] : memref<65536x128xf32, #tpu.memory_space<hbm>> -> memref<128x128xf32, #tpu.memory_space<hbm>>
          %dma_wait3A_274 = tpu.memref_slice %run_scoped3A_9[%rem3A_265] : memref<2x!tpu.dma_semaphore, #tpu.memory_space<semaphore_mem>> -> memref<1x!tpu.dma_semaphore, #tpu.memory_space<semaphore_mem>>
          %dma_wait3A_275 = tpu.memref_squeeze %dma_wait3A_274 : memref<1x!tpu.dma_semaphore, #tpu.memory_space<semaphore_mem>> -> memref<!tpu.dma_semaphore, #tpu.memory_space<semaphore_mem>>
          %dma_wait3A_276 = arith.constant 0 : i32
          %dma_wait3A_277 = tpu.memref_slice %arg4[%mul3A_267, %dma_wait3A_276] : memref<65536x128xf32, #tpu.memory_space<hbm>> -> memref<128x128xf32, #tpu.memory_space<hbm>>
          %dma_wait3A_278 = arith.constant 0 : i32
          %dma_wait3A_279 = arith.constant 0 : i32
          %dma_wait3A_280 = tpu.memref_slice %run_scoped3A_8[%rem3A_265, %dma_wait3A_278, %dma_wait3A_279] : memref<2x128x128xf32, #tpu.memory_space<vmem>> -> memref<1x128x128xf32, #tpu.memory_space<vmem>>
          %dma_wait3A_281 = tpu.memref_squeeze %dma_wait3A_280 : memref<1x128x128xf32, #tpu.memory_space<vmem>> -> memref<128x128xf32, #tpu.memory_space<vmem>>
          tpu.wait_dma2 semaphore(%dma_wait3A_275 : memref<!tpu.dma_semaphore, #tpu.memory_space<semaphore_mem>>) src(%dma_wait3A_281 : memref<128x128xf32, #tpu.memory_space<vmem>>) dst(%dma_wait3A_277 : memref<128x128xf32, #tpu.memory_space<hbm>>)
          "tpu.trace_stop"() : () -> ()
        } else {
        }
        %and3A_244 = arith.constant true
        %and3A_245 = arith.andi %and3A_240, %and3A_244 : i1
        %add3A_246 = arith.constant 1 : i32
        %add3A_247 = arith.addi %scan3A_125, %add3A_246 : i32
        %select_n3A_248 = arith.select %and3A_245, %add3A_247, %scan3A_125 : i32
        %ne3A_249 = arith.cmpi ne, %add3A_131, %add3A_149 : i32
        %or3A_250 = arith.constant false
        %or3A_251 = arith.ori %or3A_250, %ne3A_249 : i1
        %or3A_252 = arith.ori %or3A_251, %eq3A_130 : i1
        %add3A_253 = arith.constant 1 : i32
        %add3A_254 = arith.addi %scan3A_123, %add3A_253 : i32
        %select_n3A_255 = arith.select %or3A_252, %add3A_254, %scan3A_123 : i32
        %add3A_256 = arith.constant 1 : i32
        %add3A_257 = arith.addi %scan3A_126, %add3A_256 : i32
        %select_n3A_258 = arith.constant true
        %select_n3A_259 = arith.select %select_n3A_258, %add3A_257, %scan3A_126 : i32
        %eq3A_260 = arith.constant 16 : i32
        %eq3A_261 = arith.cmpi eq, %select_n3A_259, %eq3A_260 : i32
        %select_n3A_262 = arith.constant 0 : i32
        %select_n3A_263 = arith.select %eq3A_261, %select_n3A_262, %select_n3A_259 : i32
        scf.yield %select_n3A_167, %select_n3A_255, %select_n3A_221, %select_n3A_248, %select_n3A_263 : i32, i32, i32, i32, i32
      }
      %scan3A_68 = arith.constant 16 : i32
      %sub3A = arith.constant 1 : i32
      %sub3A_69 = arith.subi %scan3A_67#4, %sub3A : i32
      %select_n3A_70 = arith.constant true
      %select_n3A_71 = arith.select %select_n3A_70, %sub3A_69, %scan3A_67#4 : i32
      %eq3A_72 = arith.constant -1 : i32
      %eq3A_73 = arith.cmpi eq, %select_n3A_71, %eq3A_72 : i32
      %select_n3A_74 = arith.constant 15 : i32
      %select_n3A_75 = arith.select %eq3A_73, %select_n3A_74, %select_n3A_71 : i32
      %add3A_76 = arith.addi %select_n3A_75, %mul3A_6 : i32
      %sub3A_77 = arith.constant 1 : i32
      %sub3A_78 = arith.subi %select_n3A_75, %sub3A_77 : i32
      %select_n3A_79 = arith.constant true
      %select_n3A_80 = arith.select %select_n3A_79, %sub3A_78, %select_n3A_75 : i32
      %eq3A_81 = arith.constant -1 : i32
      %eq3A_82 = arith.cmpi eq, %select_n3A_80, %eq3A_81 : i32
      %select_n3A_83 = arith.constant 15 : i32
      %select_n3A_84 = arith.select %eq3A_82, %select_n3A_83, %select_n3A_80 : i32
      %add3A_85 = arith.addi %select_n3A_84, %mul3A_6 : i32
      %add3A_86 = arith.constant 1 : i32
      %add3A_87 = arith.addi %select_n3A_75, %add3A_86 : i32
      %select_n3A_88 = arith.constant true
      %select_n3A_89 = arith.select %select_n3A_88, %add3A_87, %select_n3A_75 : i32
      %eq3A_90 = arith.constant 16 : i32
      %eq3A_91 = arith.cmpi eq, %select_n3A_89, %eq3A_90 : i32
      %select_n3A_92 = arith.constant 0 : i32
      %select_n3A_93 = arith.select %eq3A_91, %select_n3A_92, %select_n3A_89 : i32
      %add3A_94 = arith.addi %select_n3A_93, %mul3A_6 : i32
      %add3A_95 = arith.constant 1 : i32
      %add3A_96 = arith.addi %select_n3A_93, %add3A_95 : i32
      %select_n3A_97 = arith.constant true
      %select_n3A_98 = arith.select %select_n3A_97, %add3A_96, %select_n3A_93 : i32
      %eq3A_99 = arith.constant 16 : i32
      %eq3A_100 = arith.cmpi eq, %select_n3A_98, %eq3A_99 : i32
      %select_n3A_101 = arith.constant 0 : i32
      %select_n3A_102 = arith.select %eq3A_100, %select_n3A_101, %select_n3A_98 : i32
      %add3A_103 = arith.addi %select_n3A_102, %mul3A_6 : i32
      "tpu.trace_start"() <{level = 10 : i32, message = "ep_finalize"}> : () -> ()
      %rem3A_104 = arith.constant 2 : i32
      %rem3A_105 = arith.remui %scan3A_67#3, %rem3A_104 : i32
      %mul3A_106 = arith.constant 128 : i32
      %mul3A_107 = arith.muli %mul3A_106, %add3A_76 : i32
      %dma_wait3A = arith.constant 0 : i32
      %dma_wait3A_108 = arith.constant 0 : i32
      %dma_wait3A_109 = tpu.memref_slice %run_scoped3A_8[%rem3A_105, %dma_wait3A, %dma_wait3A_108] : memref<2x128x128xf32, #tpu.memory_space<vmem>> -> memref<1x128x128xf32, #tpu.memory_space<vmem>>
      %dma_wait3A_110 = tpu.memref_squeeze %dma_wait3A_109 : memref<1x128x128xf32, #tpu.memory_space<vmem>> -> memref<128x128xf32, #tpu.memory_space<vmem>>
      %dma_wait3A_111 = arith.constant 0 : i32
      %dma_wait3A_112 = tpu.memref_slice %arg4[%mul3A_107, %dma_wait3A_111] : memref<65536x128xf32, #tpu.memory_space<hbm>> -> memref<128x128xf32, #tpu.memory_space<hbm>>
      %dma_wait3A_113 = tpu.memref_slice %run_scoped3A_9[%rem3A_105] : memref<2x!tpu.dma_semaphore, #tpu.memory_space<semaphore_mem>> -> memref<1x!tpu.dma_semaphore, #tpu.memory_space<semaphore_mem>>
      %dma_wait3A_114 = tpu.memref_squeeze %dma_wait3A_113 : memref<1x!tpu.dma_semaphore, #tpu.memory_space<semaphore_mem>> -> memref<!tpu.dma_semaphore, #tpu.memory_space<semaphore_mem>>
      %dma_wait3A_115 = arith.constant 0 : i32
      %dma_wait3A_116 = tpu.memref_slice %arg4[%mul3A_107, %dma_wait3A_115] : memref<65536x128xf32, #tpu.memory_space<hbm>> -> memref<128x128xf32, #tpu.memory_space<hbm>>
      %dma_wait3A_117 = arith.constant 0 : i32
      %dma_wait3A_118 = arith.constant 0 : i32
      %dma_wait3A_119 = tpu.memref_slice %run_scoped3A_8[%rem3A_105, %dma_wait3A_117, %dma_wait3A_118] : memref<2x128x128xf32, #tpu.memory_space<vmem>> -> memref<1x128x128xf32, #tpu.memory_space<vmem>>
      %dma_wait3A_120 = tpu.memref_squeeze %dma_wait3A_119 : memref<1x128x128xf32, #tpu.memory_space<vmem>> -> memref<128x128xf32, #tpu.memory_space<vmem>>
      tpu.wait_dma2 semaphore(%dma_wait3A_114 : memref<!tpu.dma_semaphore, #tpu.memory_space<semaphore_mem>>) src(%dma_wait3A_120 : memref<128x128xf32, #tpu.memory_space<vmem>>) dst(%dma_wait3A_116 : memref<128x128xf32, #tpu.memory_space<hbm>>)
      "tpu.trace_stop"() : () -> ()
      tpu.yield
    }) : () -> ()
    return
  }
}

#map = affine_map<(d0, d1) -> (0, 0)>
module attributes {stable_mosaic.version = 14 : i64} {
  func.func @gather_kernel(%arg0: i32, %arg1: i32, %arg2: memref<100000x128xf32, #tpu.memory_space<hbm>>, %arg3: memref<1x622592xi32, #tpu.memory_space<hbm>>, %arg4: memref<622592x128xf32, #tpu.memory_space<hbm>>) attributes {dimension_semantics = [#tpu.dimension_semantics<core_parallel>, #tpu.dimension_semantics<subcore_parallel>], iteration_bounds = array<i64: 2, 16>, scalar_prefetch = 0 : i64, scratch_operands = 0 : i64, tpu.core_type = #tpu.core_type<sc_vector_subcore>, window_params = [{transform_indices = #map}, {transform_indices = #map}, {transform_indices = #map}]} {
    %mul3A = arith.constant 1 : i32
    %mul3A_0 = arith.muli %arg1, %mul3A : i32
    %add3A = arith.constant 0 : i32
    %add3A_1 = arith.addi %add3A, %mul3A_0 : i32
    %mul3A_2 = arith.constant 16 : i32
    %mul3A_3 = arith.muli %arg0, %mul3A_2 : i32
    %add3A_4 = arith.addi %add3A_1, %mul3A_3 : i32
    %mul3A_5 = arith.constant 152 : i32
    %mul3A_6 = arith.muli %add3A_4, %mul3A_5 : i32
    "tpu.region"() ({
      %run_scoped3A = memref.alloca() : memref<2x1x128xi32, #tpu.memory_space<vmem>>
      %run_scoped3A_7 = tpu.sem_alloc : memref<2x!tpu.dma_semaphore, #tpu.memory_space<semaphore_mem>>
      %run_scoped3A_8 = memref.alloca() : memref<2x128x128xf32, #tpu.memory_space<vmem>>
      %run_scoped3A_9 = tpu.sem_alloc : memref<2x!tpu.dma_semaphore, #tpu.memory_space<semaphore_mem>>
      %add3A_10 = arith.constant 0 : i32
      %add3A_11 = arith.addi %add3A_10, %mul3A_6 : i32
      %select_n3A = arith.constant true
      %select_n3A_12 = arith.constant 0 : i32
      %select_n3A_13 = arith.constant -1 : i32
      %select_n3A_14 = arith.select %select_n3A, %select_n3A_13, %select_n3A_12 : i32
      %eq3A = arith.constant -1 : i32
      %eq3A_15 = arith.cmpi eq, %select_n3A_14, %eq3A : i32
      %select_n3A_16 = arith.constant 151 : i32
      %select_n3A_17 = arith.select %eq3A_15, %select_n3A_16, %select_n3A_14 : i32
      %add3A_18 = arith.addi %select_n3A_17, %mul3A_6 : i32
      %select_n3A_19 = arith.constant true
      %select_n3A_20 = arith.constant 0 : i32
      %select_n3A_21 = arith.constant 1 : i32
      %select_n3A_22 = arith.select %select_n3A_19, %select_n3A_21, %select_n3A_20 : i32
      %eq3A_23 = arith.constant 152 : i32
      %eq3A_24 = arith.cmpi eq, %select_n3A_22, %eq3A_23 : i32
      %select_n3A_25 = arith.constant 0 : i32
      %select_n3A_26 = arith.select %eq3A_24, %select_n3A_25, %select_n3A_22 : i32
      %add3A_27 = arith.addi %select_n3A_26, %mul3A_6 : i32
      %add3A_28 = arith.constant 1 : i32
      %add3A_29 = arith.addi %select_n3A_26, %add3A_28 : i32
      %select_n3A_30 = arith.constant true
      %select_n3A_31 = arith.select %select_n3A_30, %add3A_29, %select_n3A_26 : i32
      %eq3A_32 = arith.constant 152 : i32
      %eq3A_33 = arith.cmpi eq, %select_n3A_31, %eq3A_32 : i32
      %select_n3A_34 = arith.constant 0 : i32
      %select_n3A_35 = arith.select %eq3A_33, %select_n3A_34, %select_n3A_31 : i32
      %add3A_36 = arith.addi %select_n3A_35, %mul3A_6 : i32
      "tpu.trace_start"() <{level = 10 : i32, message = "ep_initialize_0"}> : () -> ()
      %rem3A = arith.constant 0 : i32
      %rem3A_37 = arith.constant 2 : i32
      %rem3A_38 = arith.remui %rem3A, %rem3A_37 : i32
      %mul3A_39 = arith.constant 128 : i32
      %mul3A_40 = arith.muli %mul3A_39, %add3A_11 : i32
      %dma_start3A = arith.constant 0 : i32
      %dma_start3A_41 = arith.constant 0 : i32
      %dma_start3A_42 = tpu.memref_slice %run_scoped3A[%rem3A_38, %dma_start3A, %dma_start3A_41] : memref<2x1x128xi32, #tpu.memory_space<vmem>> -> memref<1x1x128xi32, #tpu.memory_space<vmem>>
      %dma_start3A_43 = tpu.memref_squeeze %dma_start3A_42 : memref<1x1x128xi32, #tpu.memory_space<vmem>> -> memref<1x128xi32, #tpu.memory_space<vmem>>
      %dma_start3A_44 = arith.constant 0 : i32
      %dma_start3A_45 = tpu.memref_slice %arg3[%dma_start3A_44, %mul3A_40] : memref<1x622592xi32, #tpu.memory_space<hbm>> -> memref<1x128xi32, #tpu.memory_space<hbm>>
      %dma_start3A_46 = tpu.memref_slice %run_scoped3A_7[%rem3A_38] : memref<2x!tpu.dma_semaphore, #tpu.memory_space<semaphore_mem>> -> memref<1x!tpu.dma_semaphore, #tpu.memory_space<semaphore_mem>>
      %dma_start3A_47 = tpu.memref_squeeze %dma_start3A_46 : memref<1x!tpu.dma_semaphore, #tpu.memory_space<semaphore_mem>> -> memref<!tpu.dma_semaphore, #tpu.memory_space<semaphore_mem>>
      %dma_start3A_48 = arith.constant 0 : i32
      %dma_start3A_49 = arith.constant 0 : i32
      %dma_start3A_50 = tpu.memref_slice %run_scoped3A[%rem3A_38, %dma_start3A_48, %dma_start3A_49] : memref<2x1x128xi32, #tpu.memory_space<vmem>> -> memref<1x1x128xi32, #tpu.memory_space<vmem>>
      %dma_start3A_51 = tpu.memref_squeeze %dma_start3A_50 : memref<1x1x128xi32, #tpu.memory_space<vmem>> -> memref<1x128xi32, #tpu.memory_space<vmem>>
      %dma_start3A_52 = arith.constant 0 : i32
      %dma_start3A_53 = tpu.memref_slice %arg3[%dma_start3A_52, %mul3A_40] : memref<1x622592xi32, #tpu.memory_space<hbm>> -> memref<1x128xi32, #tpu.memory_space<hbm>>
      tpu.enqueue_dma source(%dma_start3A_53 : memref<1x128xi32, #tpu.memory_space<hbm>>) target(%dma_start3A_51 : memref<1x128xi32, #tpu.memory_space<vmem>>) target_semaphore(%dma_start3A_47 : memref<!tpu.dma_semaphore, #tpu.memory_space<semaphore_mem>>)
      %add3A_54 = arith.constant 0 : i32
      %add3A_55 = arith.constant 1 : i32
      %add3A_56 = arith.addi %add3A_54, %add3A_55 : i32
      %select_n3A_57 = arith.constant true
      %select_n3A_58 = arith.constant 0 : i32
      %select_n3A_59 = arith.select %select_n3A_57, %add3A_56, %select_n3A_58 : i32
      "tpu.trace_stop"() : () -> ()
      %scan3A = arith.constant 0 : i32
      %scan3A_60 = arith.constant 0 : i32
      %scan3A_61 = arith.constant 0 : i32
      %scan3A_62 = arith.constant 0 : i32
      %scan3A_63 = arith.constant 0 : i32
      %scan3A_64 = arith.constant 152 : i32
      %scan3A_65 = arith.addi %scan3A_63, %scan3A_64 : i32
      %scan3A_66 = arith.constant 1 : i32
      %scan3A_67:5 = scf.for %scan3A_121 = %scan3A_63 to %scan3A_65 step %scan3A_66 iter_args(%scan3A_122 = %select_n3A_59, %scan3A_123 = %scan3A, %scan3A_124 = %scan3A_60, %scan3A_125 = %scan3A_61, %scan3A_126 = %scan3A_62) -> (i32, i32, i32, i32, i32)  : i32 {
        %eq3A_127 = arith.constant 0 : i32
        %eq3A_128 = arith.cmpi eq, %scan3A_121, %eq3A_127 : i32
        %eq3A_129 = arith.constant 151 : i32
        %eq3A_130 = arith.cmpi eq, %scan3A_121, %eq3A_129 : i32
        %add3A_131 = arith.addi %scan3A_126, %mul3A_6 : i32
        %sub3A_132 = arith.constant 1 : i32
        %sub3A_133 = arith.subi %scan3A_126, %sub3A_132 : i32
        %select_n3A_134 = arith.constant true
        %select_n3A_135 = arith.select %select_n3A_134, %sub3A_133, %scan3A_126 : i32
        %eq3A_136 = arith.constant -1 : i32
        %eq3A_137 = arith.cmpi eq, %select_n3A_135, %eq3A_136 : i32
        %select_n3A_138 = arith.constant 151 : i32
        %select_n3A_139 = arith.select %eq3A_137, %select_n3A_138, %select_n3A_135 : i32
        %add3A_140 = arith.addi %select_n3A_139, %mul3A_6 : i32
        %add3A_141 = arith.constant 1 : i32
        %add3A_142 = arith.addi %scan3A_126, %add3A_141 : i32
        %select_n3A_143 = arith.constant true
        %select_n3A_144 = arith.select %select_n3A_143, %add3A_142, %scan3A_126 : i32
        %eq3A_145 = arith.constant 152 : i32
        %eq3A_146 = arith.cmpi eq, %select_n3A_144, %eq3A_145 : i32
        %select_n3A_147 = arith.constant 0 : i32
        %select_n3A_148 = arith.select %eq3A_146, %select_n3A_147, %select_n3A_144 : i32
        %add3A_149 = arith.addi %select_n3A_148, %mul3A_6 : i32
        %add3A_150 = arith.constant 1 : i32
        %add3A_151 = arith.addi %select_n3A_148, %add3A_150 : i32
        %select_n3A_152 = arith.constant true
        %select_n3A_153 = arith.select %select_n3A_152, %add3A_151, %select_n3A_148 : i32
        %eq3A_154 = arith.constant 152 : i32
        %eq3A_155 = arith.cmpi eq, %select_n3A_153, %eq3A_154 : i32
        %select_n3A_156 = arith.constant 0 : i32
        %select_n3A_157 = arith.select %eq3A_155, %select_n3A_156, %select_n3A_153 : i32
        %add3A_158 = arith.addi %select_n3A_157, %mul3A_6 : i32
        %ne3A = arith.cmpi ne, %add3A_131, %add3A_149 : i32
        %or3A = arith.constant false
        %or3A_159 = arith.ori %or3A, %ne3A : i1
        %ge3A = arith.constant 151 : i32
        %ge3A_160 = arith.cmpi sge, %scan3A_121, %ge3A : i32
        %not3A = arith.constant true
        %not3A_161 = arith.xori %ge3A_160, %not3A : i1
        %and3A = arith.andi %or3A_159, %not3A_161 : i1
        %convert_element_type3A = arith.extui %and3A : i1 to i32
        %cond3A = arith.constant 0 : i32
        %cond3A_162 = arith.cmpi ne, %convert_element_type3A, %cond3A : i32
        scf.if %cond3A_162 {
          "tpu.trace_start"() <{level = 10 : i32, message = "ep_copy_in"}> : () -> ()
          %rem3A_264 = arith.constant 2 : i32
          %rem3A_265 = arith.remui %scan3A_122, %rem3A_264 : i32
          %mul3A_266 = arith.constant 128 : i32
          %mul3A_267 = arith.muli %mul3A_266, %add3A_149 : i32
          %dma_start3A_268 = arith.constant 0 : i32
          %dma_start3A_269 = arith.constant 0 : i32
          %dma_start3A_270 = tpu.memref_slice %run_scoped3A[%rem3A_265, %dma_start3A_268, %dma_start3A_269] : memref<2x1x128xi32, #tpu.memory_space<vmem>> -> memref<1x1x128xi32, #tpu.memory_space<vmem>>
          %dma_start3A_271 = tpu.memref_squeeze %dma_start3A_270 : memref<1x1x128xi32, #tpu.memory_space<vmem>> -> memref<1x128xi32, #tpu.memory_space<vmem>>
          %dma_start3A_272 = arith.constant 0 : i32
          %dma_start3A_273 = tpu.memref_slice %arg3[%dma_start3A_272, %mul3A_267] : memref<1x622592xi32, #tpu.memory_space<hbm>> -> memref<1x128xi32, #tpu.memory_space<hbm>>
          %dma_start3A_274 = tpu.memref_slice %run_scoped3A_7[%rem3A_265] : memref<2x!tpu.dma_semaphore, #tpu.memory_space<semaphore_mem>> -> memref<1x!tpu.dma_semaphore, #tpu.memory_space<semaphore_mem>>
          %dma_start3A_275 = tpu.memref_squeeze %dma_start3A_274 : memref<1x!tpu.dma_semaphore, #tpu.memory_space<semaphore_mem>> -> memref<!tpu.dma_semaphore, #tpu.memory_space<semaphore_mem>>
          %dma_start3A_276 = arith.constant 0 : i32
          %dma_start3A_277 = arith.constant 0 : i32
          %dma_start3A_278 = tpu.memref_slice %run_scoped3A[%rem3A_265, %dma_start3A_276, %dma_start3A_277] : memref<2x1x128xi32, #tpu.memory_space<vmem>> -> memref<1x1x128xi32, #tpu.memory_space<vmem>>
          %dma_start3A_279 = tpu.memref_squeeze %dma_start3A_278 : memref<1x1x128xi32, #tpu.memory_space<vmem>> -> memref<1x128xi32, #tpu.memory_space<vmem>>
          %dma_start3A_280 = arith.constant 0 : i32
          %dma_start3A_281 = tpu.memref_slice %arg3[%dma_start3A_280, %mul3A_267] : memref<1x622592xi32, #tpu.memory_space<hbm>> -> memref<1x128xi32, #tpu.memory_space<hbm>>
          tpu.enqueue_dma source(%dma_start3A_281 : memref<1x128xi32, #tpu.memory_space<hbm>>) target(%dma_start3A_279 : memref<1x128xi32, #tpu.memory_space<vmem>>) target_semaphore(%dma_start3A_275 : memref<!tpu.dma_semaphore, #tpu.memory_space<semaphore_mem>>)
          "tpu.trace_stop"() : () -> ()
        } else {
        }
        %and3A_163 = arith.constant true
        %and3A_164 = arith.andi %and3A, %and3A_163 : i1
        %add3A_165 = arith.constant 1 : i32
        %add3A_166 = arith.addi %scan3A_122, %add3A_165 : i32
        %select_n3A_167 = arith.select %and3A_164, %add3A_166, %scan3A_122 : i32
        %ne3A_168 = arith.cmpi ne, %add3A_131, %add3A_149 : i32
        %or3A_169 = arith.constant false
        %or3A_170 = arith.ori %or3A_169, %ne3A_168 : i1
        %or3A_171 = arith.constant false
        %or3A_172 = arith.ori %or3A_170, %or3A_171 : i1
        %ge3A_173 = arith.constant 151 : i32
        %ge3A_174 = arith.cmpi sge, %scan3A_121, %ge3A_173 : i32
        %not3A_175 = arith.constant true
        %not3A_176 = arith.xori %ge3A_174, %not3A_175 : i1
        %and3A_177 = arith.andi %or3A_172, %not3A_176 : i1
        %ne3A_178 = arith.cmpi ne, %add3A_131, %add3A_140 : i32
        %or3A_179 = arith.constant false
        %or3A_180 = arith.ori %or3A_179, %ne3A_178 : i1
        %or3A_181 = arith.ori %or3A_180, %eq3A_128 : i1
        %convert_element_type3A_182 = arith.extui %or3A_181 : i1 to i32
        %cond3A_183 = arith.constant 0 : i32
        %cond3A_184 = arith.cmpi ne, %convert_element_type3A_182, %cond3A_183 : i32
        scf.if %cond3A_184 {
          "tpu.trace_start"() <{level = 10 : i32, message = "ep_wait_in"}> : () -> ()
          %mul3A_264 = arith.constant 128 : i32
          %mul3A_265 = arith.muli %mul3A_264, %add3A_131 : i32
          %rem3A_266 = arith.constant 2 : i32
          %rem3A_267 = arith.remui %scan3A_123, %rem3A_266 : i32
          %dma_wait3A_268 = arith.constant 0 : i32
          %dma_wait3A_269 = arith.constant 0 : i32
          %dma_wait3A_270 = tpu.memref_slice %run_scoped3A[%rem3A_267, %dma_wait3A_268, %dma_wait3A_269] : memref<2x1x128xi32, #tpu.memory_space<vmem>> -> memref<1x1x128xi32, #tpu.memory_space<vmem>>
          %dma_wait3A_271 = tpu.memref_squeeze %dma_wait3A_270 : memref<1x1x128xi32, #tpu.memory_space<vmem>> -> memref<1x128xi32, #tpu.memory_space<vmem>>
          %dma_wait3A_272 = arith.constant 0 : i32
          %dma_wait3A_273 = tpu.memref_slice %arg3[%dma_wait3A_272, %mul3A_265] : memref<1x622592xi32, #tpu.memory_space<hbm>> -> memref<1x128xi32, #tpu.memory_space<hbm>>
          %dma_wait3A_274 = tpu.memref_slice %run_scoped3A_7[%rem3A_267] : memref<2x!tpu.dma_semaphore, #tpu.memory_space<semaphore_mem>> -> memref<1x!tpu.dma_semaphore, #tpu.memory_space<semaphore_mem>>
          %dma_wait3A_275 = tpu.memref_squeeze %dma_wait3A_274 : memref<1x!tpu.dma_semaphore, #tpu.memory_space<semaphore_mem>> -> memref<!tpu.dma_semaphore, #tpu.memory_space<semaphore_mem>>
          %dma_wait3A_276 = arith.constant 0 : i32
          %dma_wait3A_277 = arith.constant 0 : i32
          %dma_wait3A_278 = tpu.memref_slice %run_scoped3A[%rem3A_267, %dma_wait3A_276, %dma_wait3A_277] : memref<2x1x128xi32, #tpu.memory_space<vmem>> -> memref<1x1x128xi32, #tpu.memory_space<vmem>>
          %dma_wait3A_279 = tpu.memref_squeeze %dma_wait3A_278 : memref<1x1x128xi32, #tpu.memory_space<vmem>> -> memref<1x128xi32, #tpu.memory_space<vmem>>
          %dma_wait3A_280 = arith.constant 0 : i32
          %dma_wait3A_281 = tpu.memref_slice %arg3[%dma_wait3A_280, %mul3A_265] : memref<1x622592xi32, #tpu.memory_space<hbm>> -> memref<1x128xi32, #tpu.memory_space<hbm>>
          tpu.wait_dma2 semaphore(%dma_wait3A_275 : memref<!tpu.dma_semaphore, #tpu.memory_space<semaphore_mem>>) src(%dma_wait3A_281 : memref<1x128xi32, #tpu.memory_space<hbm>>) dst(%dma_wait3A_279 : memref<1x128xi32, #tpu.memory_space<vmem>>)
          "tpu.trace_stop"() : () -> ()
        } else {
        }
        %ne3A_185 = arith.cmpi ne, %add3A_131, %add3A_140 : i32
        %or3A_186 = arith.constant false
        %or3A_187 = arith.ori %or3A_186, %ne3A_185 : i1
        %or3A_188 = arith.constant false
        %or3A_189 = arith.ori %or3A_187, %or3A_188 : i1
        %or3A_190 = arith.ori %or3A_189, %eq3A_128 : i1
        %convert_element_type3A_191 = arith.extui %or3A_190 : i1 to i32
        %cond3A_192 = arith.constant 0 : i32
        %cond3A_193 = arith.cmpi ne, %convert_element_type3A_191, %cond3A_192 : i32
        scf.if %cond3A_193 {
        } else {
        }
        %rem3A_194 = arith.constant 2 : i32
        %rem3A_195 = arith.remui %scan3A_123, %rem3A_194 : i32
        %rem3A_196 = arith.constant 2 : i32
        %rem3A_197 = arith.remui %scan3A_124, %rem3A_196 : i32
        %run_scoped3A_198 = arith.constant 0 : i32
        "tpu.trace_start"() <{level = 10 : i32, message = "ep_run_kernel"}> : () -> ()
        "tpu.region"() ({
          %run_scoped3A_264 = tpu.sem_alloc : memref<!tpu.dma_semaphore, #tpu.memory_space<semaphore_mem>>
          %dma_start3A_265 = arith.constant 0 : i32
          %dma_start3A_266 = arith.constant 0 : i32
          %dma_start3A_267 = tpu.memref_slice %run_scoped3A_8[%rem3A_197, %dma_start3A_265, %dma_start3A_266] : memref<2x128x128xf32, #tpu.memory_space<vmem>> -> memref<1x128x128xf32, #tpu.memory_space<vmem>>
          %dma_start3A_268 = tpu.memref_squeeze %dma_start3A_267 : memref<1x128x128xf32, #tpu.memory_space<vmem>> -> memref<128x128xf32, #tpu.memory_space<vmem>>
          %dma_start3A_269 = arith.constant 0 : i32
          %dma_start3A_270 = arith.constant 0 : i32
          %dma_start3A_271 = tpu.memref_slice %run_scoped3A[%rem3A_195, %dma_start3A_269, %dma_start3A_270] : memref<2x1x128xi32, #tpu.memory_space<vmem>> -> memref<1x1x128xi32, #tpu.memory_space<vmem>>
          %dma_start3A_272 = tpu.memref_squeeze %dma_start3A_271 : memref<1x1x128xi32, #tpu.memory_space<vmem>> -> memref<1x128xi32, #tpu.memory_space<vmem>>
          %dma_start3A_273 = arith.constant 0 : i32
          %dma_start3A_274 = tpu.memref_slice %dma_start3A_272[%run_scoped3A_198, %dma_start3A_273] : memref<1x128xi32, #tpu.memory_space<vmem>> -> memref<1x128xi32, #tpu.memory_space<vmem>>
          %dma_start3A_275 = tpu.memref_squeeze %dma_start3A_274 : memref<1x128xi32, #tpu.memory_space<vmem>> -> memref<128xi32, #tpu.memory_space<vmem>>
          %dma_start3A_276 = arith.constant 0 : i32
          %dma_start3A_277 = arith.constant 0 : i32
          %dma_start3A_278 = tpu.memref_slice %arg2[%dma_start3A_276, %dma_start3A_277] : memref<100000x128xf32, #tpu.memory_space<hbm>> -> memref<100000x128xf32, #tpu.memory_space<hbm>>
          tpu.enqueue_indirect_dma source(%dma_start3A_278 : memref<100000x128xf32, #tpu.memory_space<hbm>>) target(%dma_start3A_268 : memref<128x128xf32, #tpu.memory_space<vmem>>) offsets(%dma_start3A_275 : memref<128xi32, #tpu.memory_space<vmem>>) semaphore(%run_scoped3A_264 : memref<!tpu.dma_semaphore, #tpu.memory_space<semaphore_mem>>)
          %dma_wait3A_279 = arith.constant 0 : i32
          %dma_wait3A_280 = arith.constant 0 : i32
          %dma_wait3A_281 = tpu.memref_slice %run_scoped3A_8[%rem3A_197, %dma_wait3A_279, %dma_wait3A_280] : memref<2x128x128xf32, #tpu.memory_space<vmem>> -> memref<1x128x128xf32, #tpu.memory_space<vmem>>
          %dma_wait3A_282 = tpu.memref_squeeze %dma_wait3A_281 : memref<1x128x128xf32, #tpu.memory_space<vmem>> -> memref<128x128xf32, #tpu.memory_space<vmem>>
          %dma_wait3A_283 = arith.constant 0 : i32
          %dma_wait3A_284 = arith.constant 0 : i32
          %dma_wait3A_285 = tpu.memref_slice %run_scoped3A[%rem3A_195, %dma_wait3A_283, %dma_wait3A_284] : memref<2x1x128xi32, #tpu.memory_space<vmem>> -> memref<1x1x128xi32, #tpu.memory_space<vmem>>
          %dma_wait3A_286 = tpu.memref_squeeze %dma_wait3A_285 : memref<1x1x128xi32, #tpu.memory_space<vmem>> -> memref<1x128xi32, #tpu.memory_space<vmem>>
          %dma_wait3A_287 = arith.constant 0 : i32
          %dma_wait3A_288 = tpu.memref_slice %dma_wait3A_286[%run_scoped3A_198, %dma_wait3A_287] : memref<1x128xi32, #tpu.memory_space<vmem>> -> memref<1x128xi32, #tpu.memory_space<vmem>>
          %dma_wait3A_289 = tpu.memref_squeeze %dma_wait3A_288 : memref<1x128xi32, #tpu.memory_space<vmem>> -> memref<128xi32, #tpu.memory_space<vmem>>
          %dma_wait3A_290 = arith.constant 0 : i32
          %dma_wait3A_291 = arith.constant 0 : i32
          %dma_wait3A_292 = tpu.memref_slice %arg2[%dma_wait3A_290, %dma_wait3A_291] : memref<100000x128xf32, #tpu.memory_space<hbm>> -> memref<100000x128xf32, #tpu.memory_space<hbm>>
          tpu.wait_indirect_dma semaphore(%run_scoped3A_264 : memref<!tpu.dma_semaphore, #tpu.memory_space<semaphore_mem>>) src(%dma_wait3A_292 : memref<100000x128xf32, #tpu.memory_space<hbm>>) dst(%dma_wait3A_282 : memref<128x128xf32, #tpu.memory_space<vmem>>)
          tpu.yield
        }) : () -> ()
        "tpu.trace_stop"() : () -> ()
        %ne3A_199 = arith.cmpi ne, %add3A_131, %add3A_149 : i32
        %or3A_200 = arith.constant false
        %or3A_201 = arith.ori %or3A_200, %ne3A_199 : i1
        %or3A_202 = arith.ori %or3A_201, %eq3A_130 : i1
        %convert_element_type3A_203 = arith.extui %or3A_202 : i1 to i32
        %cond3A_204 = arith.constant 0 : i32
        %cond3A_205 = arith.cmpi ne, %convert_element_type3A_203, %cond3A_204 : i32
        scf.if %cond3A_205 {
        } else {
        }
        %and3A_206 = arith.constant false
        %and3A_207 = arith.andi %or3A_202, %and3A_206 : i1
        %ne3A_208 = arith.cmpi ne, %add3A_131, %add3A_149 : i32
        %or3A_209 = arith.constant false
        %or3A_210 = arith.ori %or3A_209, %ne3A_208 : i1
        %or3A_211 = arith.constant false
        %or3A_212 = arith.ori %or3A_210, %or3A_211 : i1
        %or3A_213 = arith.ori %or3A_212, %eq3A_130 : i1
        %convert_element_type3A_214 = arith.extui %or3A_213 : i1 to i32
        %cond3A_215 = arith.constant 0 : i32
        %cond3A_216 = arith.cmpi ne, %convert_element_type3A_214, %cond3A_215 : i32
        scf.if %cond3A_216 {
          "tpu.trace_start"() <{level = 10 : i32, message = "ep_copy_out"}> : () -> ()
          %rem3A_264 = arith.constant 2 : i32
          %rem3A_265 = arith.remui %scan3A_124, %rem3A_264 : i32
          %mul3A_266 = arith.constant 128 : i32
          %mul3A_267 = arith.muli %mul3A_266, %add3A_131 : i32
          %dma_start3A_268 = arith.constant 0 : i32
          %dma_start3A_269 = arith.constant 0 : i32
          %dma_start3A_270 = tpu.memref_slice %run_scoped3A_8[%rem3A_265, %dma_start3A_268, %dma_start3A_269] : memref<2x128x128xf32, #tpu.memory_space<vmem>> -> memref<1x128x128xf32, #tpu.memory_space<vmem>>
          %dma_start3A_271 = tpu.memref_squeeze %dma_start3A_270 : memref<1x128x128xf32, #tpu.memory_space<vmem>> -> memref<128x128xf32, #tpu.memory_space<vmem>>
          %dma_start3A_272 = arith.constant 0 : i32
          %dma_start3A_273 = tpu.memref_slice %arg4[%mul3A_267, %dma_start3A_272] : memref<622592x128xf32, #tpu.memory_space<hbm>> -> memref<128x128xf32, #tpu.memory_space<hbm>>
          %dma_start3A_274 = tpu.memref_slice %run_scoped3A_9[%rem3A_265] : memref<2x!tpu.dma_semaphore, #tpu.memory_space<semaphore_mem>> -> memref<1x!tpu.dma_semaphore, #tpu.memory_space<semaphore_mem>>
          %dma_start3A_275 = tpu.memref_squeeze %dma_start3A_274 : memref<1x!tpu.dma_semaphore, #tpu.memory_space<semaphore_mem>> -> memref<!tpu.dma_semaphore, #tpu.memory_space<semaphore_mem>>
          %dma_start3A_276 = arith.constant 0 : i32
          %dma_start3A_277 = tpu.memref_slice %arg4[%mul3A_267, %dma_start3A_276] : memref<622592x128xf32, #tpu.memory_space<hbm>> -> memref<128x128xf32, #tpu.memory_space<hbm>>
          %dma_start3A_278 = arith.constant 0 : i32
          %dma_start3A_279 = arith.constant 0 : i32
          %dma_start3A_280 = tpu.memref_slice %run_scoped3A_8[%rem3A_265, %dma_start3A_278, %dma_start3A_279] : memref<2x128x128xf32, #tpu.memory_space<vmem>> -> memref<1x128x128xf32, #tpu.memory_space<vmem>>
          %dma_start3A_281 = tpu.memref_squeeze %dma_start3A_280 : memref<1x128x128xf32, #tpu.memory_space<vmem>> -> memref<128x128xf32, #tpu.memory_space<vmem>>
          tpu.enqueue_dma source(%dma_start3A_281 : memref<128x128xf32, #tpu.memory_space<vmem>>) target(%dma_start3A_277 : memref<128x128xf32, #tpu.memory_space<hbm>>) target_semaphore(%dma_start3A_275 : memref<!tpu.dma_semaphore, #tpu.memory_space<semaphore_mem>>)
          "tpu.trace_stop"() : () -> ()
        } else {
        }
        %and3A_217 = arith.constant true
        %and3A_218 = arith.andi %or3A_213, %and3A_217 : i1
        %add3A_219 = arith.constant 1 : i32
        %add3A_220 = arith.addi %scan3A_124, %add3A_219 : i32
        %select_n3A_221 = arith.select %and3A_218, %add3A_220, %scan3A_124 : i32
        %ne3A_222 = arith.cmpi ne, %add3A_131, %add3A_140 : i32
        %or3A_223 = arith.constant false
        %or3A_224 = arith.ori %or3A_223, %ne3A_222 : i1
        %not3A_225 = arith.constant true
        %not3A_226 = arith.xori %eq3A_128, %not3A_225 : i1
        %and3A_227 = arith.andi %or3A_224, %not3A_226 : i1
        %convert_element_type3A_228 = arith.extui %and3A_227 : i1 to i32
        %cond3A_229 = arith.constant 0 : i32
        %cond3A_230 = arith.cmpi ne, %convert_element_type3A_228, %cond3A_229 : i32
        scf.if %cond3A_230 {
        } else {
        }
        %and3A_231 = arith.constant false
        %and3A_232 = arith.andi %and3A_227, %and3A_231 : i1
        %ne3A_233 = arith.cmpi ne, %add3A_131, %add3A_140 : i32
        %or3A_234 = arith.constant false
        %or3A_235 = arith.ori %or3A_234, %ne3A_233 : i1
        %or3A_236 = arith.constant false
        %or3A_237 = arith.ori %or3A_235, %or3A_236 : i1
        %not3A_238 = arith.constant true
        %not3A_239 = arith.xori %eq3A_128, %not3A_238 : i1
        %and3A_240 = arith.andi %or3A_237, %not3A_239 : i1
        %convert_element_type3A_241 = arith.extui %and3A_240 : i1 to i32
        %cond3A_242 = arith.constant 0 : i32
        %cond3A_243 = arith.cmpi ne, %convert_element_type3A_241, %cond3A_242 : i32
        scf.if %cond3A_243 {
          "tpu.trace_start"() <{level = 10 : i32, message = "ep_wait_out"}> : () -> ()
          %rem3A_264 = arith.constant 2 : i32
          %rem3A_265 = arith.remui %scan3A_125, %rem3A_264 : i32
          %mul3A_266 = arith.constant 128 : i32
          %mul3A_267 = arith.muli %mul3A_266, %add3A_140 : i32
          %dma_wait3A_268 = arith.constant 0 : i32
          %dma_wait3A_269 = arith.constant 0 : i32
          %dma_wait3A_270 = tpu.memref_slice %run_scoped3A_8[%rem3A_265, %dma_wait3A_268, %dma_wait3A_269] : memref<2x128x128xf32, #tpu.memory_space<vmem>> -> memref<1x128x128xf32, #tpu.memory_space<vmem>>
          %dma_wait3A_271 = tpu.memref_squeeze %dma_wait3A_270 : memref<1x128x128xf32, #tpu.memory_space<vmem>> -> memref<128x128xf32, #tpu.memory_space<vmem>>
          %dma_wait3A_272 = arith.constant 0 : i32
          %dma_wait3A_273 = tpu.memref_slice %arg4[%mul3A_267, %dma_wait3A_272] : memref<622592x128xf32, #tpu.memory_space<hbm>> -> memref<128x128xf32, #tpu.memory_space<hbm>>
          %dma_wait3A_274 = tpu.memref_slice %run_scoped3A_9[%rem3A_265] : memref<2x!tpu.dma_semaphore, #tpu.memory_space<semaphore_mem>> -> memref<1x!tpu.dma_semaphore, #tpu.memory_space<semaphore_mem>>
          %dma_wait3A_275 = tpu.memref_squeeze %dma_wait3A_274 : memref<1x!tpu.dma_semaphore, #tpu.memory_space<semaphore_mem>> -> memref<!tpu.dma_semaphore, #tpu.memory_space<semaphore_mem>>
          %dma_wait3A_276 = arith.constant 0 : i32
          %dma_wait3A_277 = tpu.memref_slice %arg4[%mul3A_267, %dma_wait3A_276] : memref<622592x128xf32, #tpu.memory_space<hbm>> -> memref<128x128xf32, #tpu.memory_space<hbm>>
          %dma_wait3A_278 = arith.constant 0 : i32
          %dma_wait3A_279 = arith.constant 0 : i32
          %dma_wait3A_280 = tpu.memref_slice %run_scoped3A_8[%rem3A_265, %dma_wait3A_278, %dma_wait3A_279] : memref<2x128x128xf32, #tpu.memory_space<vmem>> -> memref<1x128x128xf32, #tpu.memory_space<vmem>>
          %dma_wait3A_281 = tpu.memref_squeeze %dma_wait3A_280 : memref<1x128x128xf32, #tpu.memory_space<vmem>> -> memref<128x128xf32, #tpu.memory_space<vmem>>
          tpu.wait_dma2 semaphore(%dma_wait3A_275 : memref<!tpu.dma_semaphore, #tpu.memory_space<semaphore_mem>>) src(%dma_wait3A_281 : memref<128x128xf32, #tpu.memory_space<vmem>>) dst(%dma_wait3A_277 : memref<128x128xf32, #tpu.memory_space<hbm>>)
          "tpu.trace_stop"() : () -> ()
        } else {
        }
        %and3A_244 = arith.constant true
        %and3A_245 = arith.andi %and3A_240, %and3A_244 : i1
        %add3A_246 = arith.constant 1 : i32
        %add3A_247 = arith.addi %scan3A_125, %add3A_246 : i32
        %select_n3A_248 = arith.select %and3A_245, %add3A_247, %scan3A_125 : i32
        %ne3A_249 = arith.cmpi ne, %add3A_131, %add3A_149 : i32
        %or3A_250 = arith.constant false
        %or3A_251 = arith.ori %or3A_250, %ne3A_249 : i1
        %or3A_252 = arith.ori %or3A_251, %eq3A_130 : i1
        %add3A_253 = arith.constant 1 : i32
        %add3A_254 = arith.addi %scan3A_123, %add3A_253 : i32
        %select_n3A_255 = arith.select %or3A_252, %add3A_254, %scan3A_123 : i32
        %add3A_256 = arith.constant 1 : i32
        %add3A_257 = arith.addi %scan3A_126, %add3A_256 : i32
        %select_n3A_258 = arith.constant true
        %select_n3A_259 = arith.select %select_n3A_258, %add3A_257, %scan3A_126 : i32
        %eq3A_260 = arith.constant 152 : i32
        %eq3A_261 = arith.cmpi eq, %select_n3A_259, %eq3A_260 : i32
        %select_n3A_262 = arith.constant 0 : i32
        %select_n3A_263 = arith.select %eq3A_261, %select_n3A_262, %select_n3A_259 : i32
        scf.yield %select_n3A_167, %select_n3A_255, %select_n3A_221, %select_n3A_248, %select_n3A_263 : i32, i32, i32, i32, i32
      }
      %scan3A_68 = arith.constant 152 : i32
      %sub3A = arith.constant 1 : i32
      %sub3A_69 = arith.subi %scan3A_67#4, %sub3A : i32
      %select_n3A_70 = arith.constant true
      %select_n3A_71 = arith.select %select_n3A_70, %sub3A_69, %scan3A_67#4 : i32
      %eq3A_72 = arith.constant -1 : i32
      %eq3A_73 = arith.cmpi eq, %select_n3A_71, %eq3A_72 : i32
      %select_n3A_74 = arith.constant 151 : i32
      %select_n3A_75 = arith.select %eq3A_73, %select_n3A_74, %select_n3A_71 : i32
      %add3A_76 = arith.addi %select_n3A_75, %mul3A_6 : i32
      %sub3A_77 = arith.constant 1 : i32
      %sub3A_78 = arith.subi %select_n3A_75, %sub3A_77 : i32
      %select_n3A_79 = arith.constant true
      %select_n3A_80 = arith.select %select_n3A_79, %sub3A_78, %select_n3A_75 : i32
      %eq3A_81 = arith.constant -1 : i32
      %eq3A_82 = arith.cmpi eq, %select_n3A_80, %eq3A_81 : i32
      %select_n3A_83 = arith.constant 151 : i32
      %select_n3A_84 = arith.select %eq3A_82, %select_n3A_83, %select_n3A_80 : i32
      %add3A_85 = arith.addi %select_n3A_84, %mul3A_6 : i32
      %add3A_86 = arith.constant 1 : i32
      %add3A_87 = arith.addi %select_n3A_75, %add3A_86 : i32
      %select_n3A_88 = arith.constant true
      %select_n3A_89 = arith.select %select_n3A_88, %add3A_87, %select_n3A_75 : i32
      %eq3A_90 = arith.constant 152 : i32
      %eq3A_91 = arith.cmpi eq, %select_n3A_89, %eq3A_90 : i32
      %select_n3A_92 = arith.constant 0 : i32
      %select_n3A_93 = arith.select %eq3A_91, %select_n3A_92, %select_n3A_89 : i32
      %add3A_94 = arith.addi %select_n3A_93, %mul3A_6 : i32
      %add3A_95 = arith.constant 1 : i32
      %add3A_96 = arith.addi %select_n3A_93, %add3A_95 : i32
      %select_n3A_97 = arith.constant true
      %select_n3A_98 = arith.select %select_n3A_97, %add3A_96, %select_n3A_93 : i32
      %eq3A_99 = arith.constant 152 : i32
      %eq3A_100 = arith.cmpi eq, %select_n3A_98, %eq3A_99 : i32
      %select_n3A_101 = arith.constant 0 : i32
      %select_n3A_102 = arith.select %eq3A_100, %select_n3A_101, %select_n3A_98 : i32
      %add3A_103 = arith.addi %select_n3A_102, %mul3A_6 : i32
      "tpu.trace_start"() <{level = 10 : i32, message = "ep_finalize"}> : () -> ()
      %rem3A_104 = arith.constant 2 : i32
      %rem3A_105 = arith.remui %scan3A_67#3, %rem3A_104 : i32
      %mul3A_106 = arith.constant 128 : i32
      %mul3A_107 = arith.muli %mul3A_106, %add3A_76 : i32
      %dma_wait3A = arith.constant 0 : i32
      %dma_wait3A_108 = arith.constant 0 : i32
      %dma_wait3A_109 = tpu.memref_slice %run_scoped3A_8[%rem3A_105, %dma_wait3A, %dma_wait3A_108] : memref<2x128x128xf32, #tpu.memory_space<vmem>> -> memref<1x128x128xf32, #tpu.memory_space<vmem>>
      %dma_wait3A_110 = tpu.memref_squeeze %dma_wait3A_109 : memref<1x128x128xf32, #tpu.memory_space<vmem>> -> memref<128x128xf32, #tpu.memory_space<vmem>>
      %dma_wait3A_111 = arith.constant 0 : i32
      %dma_wait3A_112 = tpu.memref_slice %arg4[%mul3A_107, %dma_wait3A_111] : memref<622592x128xf32, #tpu.memory_space<hbm>> -> memref<128x128xf32, #tpu.memory_space<hbm>>
      %dma_wait3A_113 = tpu.memref_slice %run_scoped3A_9[%rem3A_105] : memref<2x!tpu.dma_semaphore, #tpu.memory_space<semaphore_mem>> -> memref<1x!tpu.dma_semaphore, #tpu.memory_space<semaphore_mem>>
      %dma_wait3A_114 = tpu.memref_squeeze %dma_wait3A_113 : memref<1x!tpu.dma_semaphore, #tpu.memory_space<semaphore_mem>> -> memref<!tpu.dma_semaphore, #tpu.memory_space<semaphore_mem>>
      %dma_wait3A_115 = arith.constant 0 : i32
      %dma_wait3A_116 = tpu.memref_slice %arg4[%mul3A_107, %dma_wait3A_115] : memref<622592x128xf32, #tpu.memory_space<hbm>> -> memref<128x128xf32, #tpu.memory_space<hbm>>
      %dma_wait3A_117 = arith.constant 0 : i32
      %dma_wait3A_118 = arith.constant 0 : i32
      %dma_wait3A_119 = tpu.memref_slice %run_scoped3A_8[%rem3A_105, %dma_wait3A_117, %dma_wait3A_118] : memref<2x128x128xf32, #tpu.memory_space<vmem>> -> memref<1x128x128xf32, #tpu.memory_space<vmem>>
      %dma_wait3A_120 = tpu.memref_squeeze %dma_wait3A_119 : memref<1x128x128xf32, #tpu.memory_space<vmem>> -> memref<128x128xf32, #tpu.memory_space<vmem>>
      tpu.wait_dma2 semaphore(%dma_wait3A_114 : memref<!tpu.dma_semaphore, #tpu.memory_space<semaphore_mem>>) src(%dma_wait3A_120 : memref<128x128xf32, #tpu.memory_space<vmem>>) dst(%dma_wait3A_116 : memref<128x128xf32, #tpu.memory_space<hbm>>)
      "tpu.trace_stop"() : () -> ()
      tpu.yield
    }) : () -> ()
    return
  }
}

module attributes {stable_mosaic.version = 14 : i64} {
  func.func @body(%arg0: i32, %arg1: memref<512x128xf32, #tpu.memory_space<vmem>>, %arg2: memref<512x128xf32, #tpu.memory_space<vmem>>, %arg3: memref<512x128xf32, #tpu.memory_space<vmem>>, %arg4: memref<512x128xf32, #tpu.memory_space<vmem>>, %arg5: memref<512x128xf32, #tpu.memory_space<vmem>>, %arg6: memref<512x128xf32, #tpu.memory_space<vmem>>, %arg7: memref<512x128xf32, #tpu.memory_space<vmem>>, %arg8: memref<512x128xf32, #tpu.memory_space<vmem>>, %arg9: memref<512x128xf32, #tpu.memory_space<vmem>>, %arg10: memref<512x128xf32, #tpu.memory_space<vmem>>, %arg11: memref<512x128xf32, #tpu.memory_space<vmem>>, %arg12: memref<128x128xf32, #tpu.memory_space<vmem>>, %arg13: memref<128x128xf32, #tpu.memory_space<vmem>>, %arg14: memref<1x128xf32, #tpu.memory_space<vmem>>, %arg15: memref<128x64xf32, #tpu.memory_space<vmem>>, %arg16: memref<128x64xf32, #tpu.memory_space<vmem>>, %arg17: memref<1x64xf32, #tpu.memory_space<vmem>>, %arg18: memref<1x512xf32, #tpu.memory_space<vmem>>, %arg19: memref<5632x64xf32, #tpu.memory_space<vmem>>) attributes {dimension_semantics = [#tpu.dimension_semantics<arbitrary>], iteration_bounds = array<i64: 121>, scalar_prefetch = 0 : i64, scratch_operands = 1 : i64, tpu.core_type = #tpu.core_type<tc>, window_params = [{transform_indices = @transform_0, window_bounds = array<i64: 512, 128>}, {transform_indices = @transform_1, window_bounds = array<i64: 512, 128>}, {transform_indices = @transform_2, window_bounds = array<i64: 512, 128>}, {transform_indices = @transform_3, window_bounds = array<i64: 512, 128>}, {transform_indices = @transform_4, window_bounds = array<i64: 512, 128>}, {transform_indices = @transform_5, window_bounds = array<i64: 512, 128>}, {transform_indices = @transform_6, window_bounds = array<i64: 512, 128>}, {transform_indices = @transform_7, window_bounds = array<i64: 512, 128>}, {transform_indices = @transform_8, window_bounds = array<i64: 512, 128>}, {transform_indices = @transform_9, window_bounds = array<i64: 512, 128>}, {transform_indices = @transform_10, window_bounds = array<i64: 512, 128>}, {pipeline_mode = #tpu.pipeline_mode<synchronous>, transform_indices = @transform_11, window_bounds = array<i64: 128, 128>}, {pipeline_mode = #tpu.pipeline_mode<synchronous>, transform_indices = @transform_12, window_bounds = array<i64: 128, 128>}, {pipeline_mode = #tpu.pipeline_mode<synchronous>, transform_indices = @transform_13, window_bounds = array<i64: 1, 128>}, {pipeline_mode = #tpu.pipeline_mode<synchronous>, transform_indices = @transform_14, window_bounds = array<i64: 128, 64>}, {pipeline_mode = #tpu.pipeline_mode<synchronous>, transform_indices = @transform_15, window_bounds = array<i64: 128, 64>}, {pipeline_mode = #tpu.pipeline_mode<synchronous>, transform_indices = @transform_16, window_bounds = array<i64: 1, 64>}, {pipeline_mode = #tpu.pipeline_mode<synchronous>, transform_indices = @transform_17, window_bounds = array<i64: 1, 512>}]} {
    %eq3A = arith.constant 0 : i32
    %eq3A_0 = arith.cmpi eq, %arg0, %eq3A : i32
    %convert_element_type3A = arith.extui %eq3A_0 : i1 to i32
    %cond3A = arith.constant 0 : i32
    %cond3A_1 = arith.cmpi ne, %convert_element_type3A, %cond3A : i32
    scf.if %cond3A_1 {
      %broadcast_in_dim3A = arith.constant 0.000000e+00 : f32
      %broadcast_in_dim3A_74 = vector.broadcast %broadcast_in_dim3A : f32 to vector<5632x64xf32>
      %swap3A = arith.constant 0 : index
      %swap3A_75 = arith.constant 0 : index
      %swap3A_76 = vector.load %arg19[%swap3A, %swap3A_75] : memref<5632x64xf32, #tpu.memory_space<vmem>>, vector<5632x64xf32>
      tpu.vector_store %arg19[%swap3A, %swap3A_75], %broadcast_in_dim3A_74 {strides = array<i32>} : memref<5632x64xf32, #tpu.memory_space<vmem>>, vector<5632x64xf32>,
    } else {
    }
    %get3A = arith.constant 0 : index
    %get3A_2 = arith.constant 0 : index
    %get3A_3 = vector.load %arg2[%get3A, %get3A_2] : memref<512x128xf32, #tpu.memory_space<vmem>>, vector<512x128xf32>
    %get3A_4 = arith.constant 0 : index
    %get3A_5 = arith.constant 0 : index
    %get3A_6 = vector.load %arg3[%get3A_4, %get3A_5] : memref<512x128xf32, #tpu.memory_space<vmem>>, vector<512x128xf32>
    %add3A = arith.addf %get3A_3, %get3A_6 : vector<512x128xf32>
    %get3A_7 = arith.constant 0 : index
    %get3A_8 = arith.constant 0 : index
    %get3A_9 = vector.load %arg4[%get3A_7, %get3A_8] : memref<512x128xf32, #tpu.memory_space<vmem>>, vector<512x128xf32>
    %add3A_10 = arith.addf %add3A, %get3A_9 : vector<512x128xf32>
    %get3A_11 = arith.constant 0 : index
    %get3A_12 = arith.constant 0 : index
    %get3A_13 = vector.load %arg5[%get3A_11, %get3A_12] : memref<512x128xf32, #tpu.memory_space<vmem>>, vector<512x128xf32>
    %add3A_14 = arith.addf %add3A_10, %get3A_13 : vector<512x128xf32>
    %get3A_15 = arith.constant 0 : index
    %get3A_16 = arith.constant 0 : index
    %get3A_17 = vector.load %arg6[%get3A_15, %get3A_16] : memref<512x128xf32, #tpu.memory_space<vmem>>, vector<512x128xf32>
    %add3A_18 = arith.addf %add3A_14, %get3A_17 : vector<512x128xf32>
    %get3A_19 = arith.constant 0 : index
    %get3A_20 = arith.constant 0 : index
    %get3A_21 = vector.load %arg7[%get3A_19, %get3A_20] : memref<512x128xf32, #tpu.memory_space<vmem>>, vector<512x128xf32>
    %add3A_22 = arith.addf %add3A_18, %get3A_21 : vector<512x128xf32>
    %get3A_23 = arith.constant 0 : index
    %get3A_24 = arith.constant 0 : index
    %get3A_25 = vector.load %arg8[%get3A_23, %get3A_24] : memref<512x128xf32, #tpu.memory_space<vmem>>, vector<512x128xf32>
    %add3A_26 = arith.addf %add3A_22, %get3A_25 : vector<512x128xf32>
    %get3A_27 = arith.constant 0 : index
    %get3A_28 = arith.constant 0 : index
    %get3A_29 = vector.load %arg9[%get3A_27, %get3A_28] : memref<512x128xf32, #tpu.memory_space<vmem>>, vector<512x128xf32>
    %add3A_30 = arith.addf %add3A_26, %get3A_29 : vector<512x128xf32>
    %get3A_31 = arith.constant 0 : index
    %get3A_32 = arith.constant 0 : index
    %get3A_33 = vector.load %arg10[%get3A_31, %get3A_32] : memref<512x128xf32, #tpu.memory_space<vmem>>, vector<512x128xf32>
    %add3A_34 = arith.addf %add3A_30, %get3A_33 : vector<512x128xf32>
    %get3A_35 = arith.constant 0 : index
    %get3A_36 = arith.constant 0 : index
    %get3A_37 = vector.load %arg11[%get3A_35, %get3A_36] : memref<512x128xf32, #tpu.memory_space<vmem>>, vector<512x128xf32>
    %add3A_38 = arith.addf %add3A_34, %get3A_37 : vector<512x128xf32>
    %mul3A = arith.constant 1.000000e-01 : f32
    %mul3A_39 = vector.broadcast %mul3A : f32 to vector<512x128xf32>
    %mul3A_40 = arith.mulf %add3A_38, %mul3A_39 : vector<512x128xf32>
    %get3A_41 = arith.constant 0 : index
    %get3A_42 = arith.constant 0 : index
    %get3A_43 = vector.load %arg1[%get3A_41, %get3A_42] : memref<512x128xf32, #tpu.memory_space<vmem>>, vector<512x128xf32>
    %get3A_44 = arith.constant 0 : index
    %get3A_45 = arith.constant 0 : index
    %get3A_46 = vector.load %arg12[%get3A_44, %get3A_45] : memref<128x128xf32, #tpu.memory_space<vmem>>, vector<128x128xf32>
    %dot_general3A = arith.constant dense<0.000000e+00> : vector<512x128xf32>
    %dot_general3A_47 = tpu.matmul %get3A_43, %get3A_46, %dot_general3A {dimension_numbers = #tpu.dot_dimension_numbers<[1], [0], [0], [1], [0, 0, 1, 1], [], []>, transpose_lhs_hint = false} : vector<512x128xf32>, vector<128x128xf32>, vector<512x128xf32> -> vector<512x128xf32>
    %get3A_48 = arith.constant 0 : index
    %get3A_49 = arith.constant 0 : index
    %get3A_50 = vector.load %arg13[%get3A_48, %get3A_49] : memref<128x128xf32, #tpu.memory_space<vmem>>, vector<128x128xf32>
    %dot_general3A_51 = arith.constant dense<0.000000e+00> : vector<512x128xf32>
    %dot_general3A_52 = tpu.matmul %mul3A_40, %get3A_50, %dot_general3A_51 {dimension_numbers = #tpu.dot_dimension_numbers<[1], [0], [0], [1], [0, 0, 1, 1], [], []>, transpose_lhs_hint = false} : vector<512x128xf32>, vector<128x128xf32>, vector<512x128xf32> -> vector<512x128xf32>
    %add3A_53 = arith.addf %dot_general3A_47, %dot_general3A_52 : vector<512x128xf32>
    %get3A_54 = arith.constant 0 : index
    %get3A_55 = arith.constant 0 : index
    %get3A_56 = vector.load %arg14[%get3A_54, %get3A_55] : memref<1x128xf32, #tpu.memory_space<vmem>>, vector<1x128xf32>
    %add3A_57 = vector.broadcast %get3A_56 : vector<1x128xf32> to vector<512x128xf32>
    %add3A_58 = arith.addf %add3A_53, %add3A_57 : vector<512x128xf32>
    %max3A = arith.constant 0.000000e+00 : f32
    %max3A_59 = vector.broadcast %max3A : f32 to vector<512x128xf32>
    %max3A_60 = arith.maximumf %add3A_58, %max3A_59 : vector<512x128xf32>
    %lt3A = arith.constant 11 : i32
    %lt3A_61 = arith.cmpi slt, %arg0, %lt3A : i32
    %convert_element_type3A_62 = arith.extui %lt3A_61 : i1 to i32
    %cond3A_63 = arith.constant 0 : i32
    %cond3A_64 = arith.cmpi ne, %convert_element_type3A_62, %cond3A_63 : i32
    scf.if %cond3A_64 {
      %mul3A_74 = arith.constant 512 : i32
      %mul3A_75 = arith.muli %arg0, %mul3A_74 : i32
      %get3A_76 = arith.index_cast %mul3A_75 : i32 to index
      %get3A_77 = arith.constant 0 : index
      %get3A_78 = vector.load %arg19[%get3A_76, %get3A_77] : memref<5632x64xf32, #tpu.memory_space<vmem>>, vector<512x64xf32>
      %get3A_79 = arith.constant 0 : index
      %get3A_80 = arith.constant 0 : index
      %get3A_81 = vector.load %arg15[%get3A_79, %get3A_80] : memref<128x64xf32, #tpu.memory_space<vmem>>, vector<128x64xf32>
      %dot_general3A_82 = arith.constant dense<0.000000e+00> : vector<512x64xf32>
      %dot_general3A_83 = tpu.matmul %max3A_60, %get3A_81, %dot_general3A_82 {dimension_numbers = #tpu.dot_dimension_numbers<[1], [0], [0], [1], [0, 0, 1, 1], [], []>, transpose_lhs_hint = false} : vector<512x128xf32>, vector<128x64xf32>, vector<512x64xf32> -> vector<512x64xf32>
      %add3A_84 = arith.addf %get3A_78, %dot_general3A_83 : vector<512x64xf32>
      %swap3A = arith.index_cast %mul3A_75 : i32 to index
      %swap3A_85 = arith.constant 0 : index
      %swap3A_86 = vector.load %arg19[%swap3A, %swap3A_85] : memref<5632x64xf32, #tpu.memory_space<vmem>>, vector<512x64xf32>
      tpu.vector_store %arg19[%swap3A, %swap3A_85], %add3A_84 {strides = array<i32>} : memref<5632x64xf32, #tpu.memory_space<vmem>>, vector<512x64xf32>,
    } else {
    }
    %ge3A = arith.constant 11 : i32
    %ge3A_65 = arith.cmpi sge, %arg0, %ge3A : i32
    %convert_element_type3A_66 = arith.extui %ge3A_65 : i1 to i32
    %cond3A_67 = arith.constant 0 : i32
    %cond3A_68 = arith.cmpi ne, %convert_element_type3A_66, %cond3A_67 : i32
    scf.if %cond3A_68 {
      %sub3A = arith.constant 11 : i32
      %sub3A_74 = arith.subi %arg0, %sub3A : i32
      %rem3A = arith.constant 11 : i32
      %rem3A_75 = arith.remsi %sub3A_74, %rem3A : i32
      %mul3A_76 = arith.constant 512 : i32
      %mul3A_77 = arith.muli %rem3A_75, %mul3A_76 : i32
      %get3A_78 = arith.index_cast %mul3A_77 : i32 to index
      %get3A_79 = arith.constant 0 : index
      %get3A_80 = vector.load %arg19[%get3A_78, %get3A_79] : memref<5632x64xf32, #tpu.memory_space<vmem>>, vector<512x64xf32>
      %get3A_81 = arith.constant 0 : index
      %get3A_82 = arith.constant 0 : index
      %get3A_83 = vector.load %arg16[%get3A_81, %get3A_82] : memref<128x64xf32, #tpu.memory_space<vmem>>, vector<128x64xf32>
      %dot_general3A_84 = arith.constant dense<0.000000e+00> : vector<512x64xf32>
      %dot_general3A_85 = tpu.matmul %max3A_60, %get3A_83, %dot_general3A_84 {dimension_numbers = #tpu.dot_dimension_numbers<[1], [0], [0], [1], [0, 0, 1, 1], [], []>, transpose_lhs_hint = false} : vector<512x128xf32>, vector<128x64xf32>, vector<512x64xf32> -> vector<512x64xf32>
      %mul3A_86 = arith.constant 1.000000e-01 : f32
      %mul3A_87 = vector.broadcast %mul3A_86 : f32 to vector<512x64xf32>
      %mul3A_88 = arith.mulf %dot_general3A_85, %mul3A_87 : vector<512x64xf32>
      %add3A_89 = arith.addf %get3A_80, %mul3A_88 : vector<512x64xf32>
      %swap3A = arith.index_cast %mul3A_77 : i32 to index
      %swap3A_90 = arith.constant 0 : index
      %swap3A_91 = vector.load %arg19[%swap3A, %swap3A_90] : memref<5632x64xf32, #tpu.memory_space<vmem>>, vector<512x64xf32>
      tpu.vector_store %arg19[%swap3A, %swap3A_90], %add3A_89 {strides = array<i32>} : memref<5632x64xf32, #tpu.memory_space<vmem>>, vector<512x64xf32>,
    } else {
    }
    %eq3A_69 = arith.constant 120 : i32
    %eq3A_70 = arith.cmpi eq, %arg0, %eq3A_69 : i32
    %convert_element_type3A_71 = arith.extui %eq3A_70 : i1 to i32
    %cond3A_72 = arith.constant 0 : i32
    %cond3A_73 = arith.cmpi ne, %convert_element_type3A_71, %cond3A_72 : i32
    scf.if %cond3A_73 {
      %get3A_74 = arith.constant 0 : index
      %get3A_75 = arith.constant 0 : index
      %get3A_76 = vector.load %arg19[%get3A_74, %get3A_75] : memref<5632x64xf32, #tpu.memory_space<vmem>>, vector<5632x64xf32>
      %get3A_77 = arith.constant 0 : index
      %get3A_78 = arith.constant 0 : index
      %get3A_79 = vector.load %arg17[%get3A_77, %get3A_78] : memref<1x64xf32, #tpu.memory_space<vmem>>, vector<1x64xf32>
      %add3A_80 = vector.broadcast %get3A_79 : vector<1x64xf32> to vector<5632x64xf32>
      %add3A_81 = arith.addf %get3A_76, %add3A_80 : vector<5632x64xf32>
      %mul3A_82 = arith.mulf %add3A_81, %add3A_81 : vector<5632x64xf32>
      %reduce_sum3A = arith.constant dense<0.000000e+00> : vector<5632xf32>
      %reduce_sum3A_83 = vector.multi_reduction <add>, %mul3A_82, %reduce_sum3A [1] : vector<5632x64xf32> to vector<5632xf32>
      %broadcast_in_dim3A = vector.shape_cast %reduce_sum3A_83 : vector<5632xf32> to vector<5632x1xf32>
      %sqrt3A = math.sqrt %broadcast_in_dim3A : vector<5632x1xf32>
      %max3A_84 = arith.constant 9.99999997E-7 : f32
      %max3A_85 = vector.broadcast %max3A_84 : f32 to vector<5632x1xf32>
      %max3A_86 = arith.maximumf %sqrt3A, %max3A_85 : vector<5632x1xf32>
      %div3A = vector.broadcast %max3A_86 : vector<5632x1xf32> to vector<5632x64xf32>
      %div3A_87 = arith.divf %add3A_81, %div3A : vector<5632x64xf32>
      %slice3A = vector.extract_strided_slice %div3A_87 {offsets = [0, 0], sizes = [512, 64], strides = [1, 1]} : vector<5632x64xf32> to vector<512x64xf32>
      %slice3A_88 = vector.extract_strided_slice %div3A_87 {offsets = [512, 0], sizes = [5120, 64], strides = [1, 1]} : vector<5632x64xf32> to vector<5120x64xf32>
      %dot_general3A_89 = arith.constant dense<0.000000e+00> : vector<5120x512xf32>
      %dot_general3A_90 = tpu.matmul %slice3A_88, %slice3A, %dot_general3A_89 {dimension_numbers = #tpu.dot_dimension_numbers<[1], [1], [0], [0], [0, 0, 1, 0], [], []>, transpose_lhs_hint = false} : vector<5120x64xf32>, vector<512x64xf32>, vector<5120x512xf32> -> vector<5120x512xf32>
      %iota3A = tpu.iota {dimensions = array<i32: 0>} : vector<5120x512xi32>
      %iota3A_91 = tpu.iota {dimensions = array<i32: 1>} : vector<5120x512xi32>
      %mul3A_92 = arith.constant 10 : i32
      %mul3A_93 = vector.broadcast %mul3A_92 : i32 to vector<5120x512xi32>
      %mul3A_94 = arith.muli %iota3A_91, %mul3A_93 : vector<5120x512xi32>
      %ge3A_95 = arith.cmpi sge, %iota3A, %mul3A_94 : vector<5120x512xi32>
      %mul3A_96 = arith.constant 10 : i32
      %mul3A_97 = vector.broadcast %mul3A_96 : i32 to vector<5120x512xi32>
      %mul3A_98 = arith.muli %iota3A_91, %mul3A_97 : vector<5120x512xi32>
      %add3A_99 = arith.constant 10 : i32
      %add3A_100 = vector.broadcast %add3A_99 : i32 to vector<5120x512xi32>
      %add3A_101 = arith.addi %mul3A_98, %add3A_100 : vector<5120x512xi32>
      %lt3A_102 = arith.cmpi slt, %iota3A, %add3A_101 : vector<5120x512xi32>
      %and3A = arith.andi %ge3A_95, %lt3A_102 : vector<5120x512xi1>
      %jit3A = arith.constant 0.000000e+00 : f32
      %broadcast_in_dim3A_103 = vector.broadcast %jit3A : f32 to vector<5120x512xf32>
      %select_n3A = arith.select %and3A, %dot_general3A_90, %broadcast_in_dim3A_103 : vector<5120x512xi1>, vector<5120x512xf32>
      %reduce_sum3A_104 = arith.constant dense<0.000000e+00> : vector<512xf32>
      %reduce_sum3A_105 = vector.multi_reduction <add>, %select_n3A, %reduce_sum3A_104 [0] : vector<5120x512xf32> to vector<512xf32>
      %broadcast_in_dim3A_106 = vector.shape_cast %reduce_sum3A_105 : vector<512xf32> to vector<1x512xf32>
      %swap3A = arith.constant 0 : index
      %swap3A_107 = arith.constant 0 : index
      %swap3A_108 = vector.load %arg18[%swap3A, %swap3A_107] : memref<1x512xf32, #tpu.memory_space<vmem>>, vector<1x512xf32>
      tpu.vector_store %arg18[%swap3A, %swap3A_107], %broadcast_in_dim3A_106 {strides = array<i32>} : memref<1x512xf32, #tpu.memory_space<vmem>>, vector<1x512xf32>,
    } else {
    }
    return
  }
  func.func @transform_0(%arg0: i32) -> (i32, i32) {
    %c0_i32 = arith.constant 0 : i32
    %c0_i32_0 = arith.constant 0 : i32
    return %arg0, %c0_i32 : i32, i32
  }
  func.func @transform_1(%arg0: i32) -> (i32, i32) {
    %add3A = arith.constant 0 : i32
    %add3A_0 = arith.addi %add3A, %arg0 : i32
    %c0_i32 = arith.constant 0 : i32
    %c0_i32_1 = arith.constant 0 : i32
    return %add3A_0, %c0_i32 : i32, i32
  }
  func.func @transform_2(%arg0: i32) -> (i32, i32) {
    %add3A = arith.constant 121 : i32
    %add3A_0 = arith.addi %add3A, %arg0 : i32
    %c0_i32 = arith.constant 0 : i32
    %c0_i32_1 = arith.constant 0 : i32
    return %add3A_0, %c0_i32 : i32, i32
  }
  func.func @transform_3(%arg0: i32) -> (i32, i32) {
    %add3A = arith.constant 242 : i32
    %add3A_0 = arith.addi %add3A, %arg0 : i32
    %c0_i32 = arith.constant 0 : i32
    %c0_i32_1 = arith.constant 0 : i32
    return %add3A_0, %c0_i32 : i32, i32
  }
  func.func @transform_4(%arg0: i32) -> (i32, i32) {
    %add3A = arith.constant 363 : i32
    %add3A_0 = arith.addi %add3A, %arg0 : i32
    %c0_i32 = arith.constant 0 : i32
    %c0_i32_1 = arith.constant 0 : i32
    return %add3A_0, %c0_i32 : i32, i32
  }
  func.func @transform_5(%arg0: i32) -> (i32, i32) {
    %add3A = arith.constant 484 : i32
    %add3A_0 = arith.addi %add3A, %arg0 : i32
    %c0_i32 = arith.constant 0 : i32
    %c0_i32_1 = arith.constant 0 : i32
    return %add3A_0, %c0_i32 : i32, i32
  }
  func.func @transform_6(%arg0: i32) -> (i32, i32) {
    %add3A = arith.constant 605 : i32
    %add3A_0 = arith.addi %add3A, %arg0 : i32
    %c0_i32 = arith.constant 0 : i32
    %c0_i32_1 = arith.constant 0 : i32
    return %add3A_0, %c0_i32 : i32, i32
  }
  func.func @transform_7(%arg0: i32) -> (i32, i32) {
    %add3A = arith.constant 726 : i32
    %add3A_0 = arith.addi %add3A, %arg0 : i32
    %c0_i32 = arith.constant 0 : i32
    %c0_i32_1 = arith.constant 0 : i32
    return %add3A_0, %c0_i32 : i32, i32
  }
  func.func @transform_8(%arg0: i32) -> (i32, i32) {
    %add3A = arith.constant 847 : i32
    %add3A_0 = arith.addi %add3A, %arg0 : i32
    %c0_i32 = arith.constant 0 : i32
    %c0_i32_1 = arith.constant 0 : i32
    return %add3A_0, %c0_i32 : i32, i32
  }
  func.func @transform_9(%arg0: i32) -> (i32, i32) {
    %add3A = arith.constant 968 : i32
    %add3A_0 = arith.addi %add3A, %arg0 : i32
    %c0_i32 = arith.constant 0 : i32
    %c0_i32_1 = arith.constant 0 : i32
    return %add3A_0, %c0_i32 : i32, i32
  }
  func.func @transform_10(%arg0: i32) -> (i32, i32) {
    %add3A = arith.constant 1089 : i32
    %add3A_0 = arith.addi %add3A, %arg0 : i32
    %c0_i32 = arith.constant 0 : i32
    %c0_i32_1 = arith.constant 0 : i32
    return %add3A_0, %c0_i32 : i32, i32
  }
  func.func @transform_11(%arg0: i32) -> (i32, i32) {
    %c0_i32 = arith.constant 0 : i32
    %c0_i32_0 = arith.constant 0 : i32
    %c0_i32_1 = arith.constant 0 : i32
    return %c0_i32, %c0_i32_0 : i32, i32
  }
  func.func @transform_12(%arg0: i32) -> (i32, i32) {
    %c0_i32 = arith.constant 0 : i32
    %c0_i32_0 = arith.constant 0 : i32
    %c0_i32_1 = arith.constant 0 : i32
    return %c0_i32, %c0_i32_0 : i32, i32
  }
  func.func @transform_13(%arg0: i32) -> (i32, i32) {
    %c0_i32 = arith.constant 0 : i32
    %c0_i32_0 = arith.constant 0 : i32
    %c0_i32_1 = arith.constant 0 : i32
    return %c0_i32, %c0_i32_0 : i32, i32
  }
  func.func @transform_14(%arg0: i32) -> (i32, i32) {
    %c0_i32 = arith.constant 0 : i32
    %c0_i32_0 = arith.constant 0 : i32
    %c0_i32_1 = arith.constant 0 : i32
    return %c0_i32, %c0_i32_0 : i32, i32
  }
  func.func @transform_15(%arg0: i32) -> (i32, i32) {
    %c0_i32 = arith.constant 0 : i32
    %c0_i32_0 = arith.constant 0 : i32
    %c0_i32_1 = arith.constant 0 : i32
    return %c0_i32, %c0_i32_0 : i32, i32
  }
  func.func @transform_16(%arg0: i32) -> (i32, i32) {
    %c0_i32 = arith.constant 0 : i32
    %c0_i32_0 = arith.constant 0 : i32
    %c0_i32_1 = arith.constant 0 : i32
    return %c0_i32, %c0_i32_0 : i32, i32
  }
  func.func @transform_17(%arg0: i32) -> (i32, i32) {
    %c0_i32 = arith.constant 0 : i32
    %c0_i32_0 = arith.constant 0 : i32
    %c0_i32_1 = arith.constant 0 : i32
    return %c0_i32, %c0_i32_0 : i32, i32
  }
}

</mosaic_0001>

<sc_bundles>
// kernel: gather_offload_async_start.1
scs
__scs_entry_jumppad:
0x0: {  	(pc) =	sbr.rel $0x88, $3  }
0x1: {  	(tag) =	ssettag $0x0;
	lr =	simm.s32 $0x1  }
0x2: {  	[smem:$0x3F96] =	sst lr;
	_ =	strace $0xD0000000  }
0x3: {  	_ = 	snop  }
0x4: {  	_ = 	snop  }
0x5: {  	_ = 	snop  }
0x6: {  	_ = 	snop  }
0x7: {  	_ = 	snop  }
__scs_overlays_trampoline_lowered:
0x8: {  	[smem:$0x3FA5] =	sst s0  }
0x9: {  	[smem:$0x3FA6] =	sst s1  }
0xa: {  	[smem:$0x3FA7] =	sst s2  }
0xb: {  	[smem:$0x3FA8] =	sst s3  }
0xc: {  	[smem:$0x3FA9] =	sst s4  }
0xd: {  	[smem:$0x3FAA] =	sst s5  }
0xe: {  	[smem:$0x3FAB] =	sst s6  }
0xf: {  	[smem:$0x3FAC] =	sst s7  }
0x10: {  	[smem:$0x3FAD] =	sst s8  }
0x11: {  	[smem:$0x3FAE] =	sst s9;
	s0 =	simm.s32 @!p0 $0x0  }
0x12: {  	s1 =	sld [smem:$0x3F94];
	s0 =	simm.s32 @p0 $0x1  }
0x13: {  	[smem:$0x3FAF] =	sst s0;
	s0 =	simm.s32 @!p1 $0x0  }
0x14: {  	s2 =	sld [smem:$0x3F93];
	s0 =	simm.s32 @p1 $0x1  }
0x15: {  	[smem:$0x3FB0] =	sst s0;
	s0 =	simm.s32 @!p2 $0x0  }
0x16: {  	s3 =	sld [smem:$0x3FDB];
	s0 =	simm.s32 @p2 $0x1  }
0x17: {  	s4 =	simm.s32 $0x1BF5;
	[smem:$0x3FB2] =	sst s0  }
0x18: {  	s0 =	sld [smem:$0x3F95];
	_ =	swait.ge [sflag:s4], $0x0  }
0x19: {  	s7 =	sld [smem:$0x3F96]  }
0x1a: {  	s8 =	sadd.s32 $0xFFFFE003, lr  }
0x1b: {  	s9 =	sadd.s32 $0xFFFFFEF7, lr;
	s5 =	simm.s32 $0xFFFFFFFF;
	p2 =	slt.u32 s8, $0xFFFFF086  }
0x1c: {  	p1 =	slt.u32 s9, $0xF7A;
	s5 =	simm.s32 @!p2 $0x0  }
0x1d: {  	s5 =	simm.s32 @p1 $0x1;
	p0 =	seq.s32 s7, s2  }
0x1e: {  	s7 =	smul.u32 @!p0 $0xF7A, s2;
	p2 =	seq.s32 @!p0 s5, $0x0  }
0x1f: {  	s9 =	smul.u32 $0xF7A, s1;
	s8 =	simm.s32 @!p0 $0x1BF5;
	p2 =	por !p2, p0  }
0x20: {  	[sflag:s8] =	ssyncset.s32 @!p0 $0xFFFFF086;
	s6 =	sadd.s32 @!p0 s3, s7;
	s7 =	simm.s32 @!p0 $0x108  }
0x21: {  	s3 =	sadd.s32 s3, s9;
	s6 =	sadd.s32 @!p0 $0x88, s6;
	s7 =	simm.s32 @p2 $0x1082  }
0x22: {  	[simem:s7], [sflag:s8] =	dma.local @!p0 [hbm:s6], $0xF7A  }
0x23: {  	s9 =	sor.u32 $0xD0000000, s2;
	s6 =	simm.s32 $0x108;
	_ =	swait.ge @!p0 [sflag:s8], $0x0  }
0x24: {  	s3 =	sadd.s32 $0x88, s3;
	s6 =	simm.s32 @!p1 $0x1082;
	[sflag:s4] =	ssyncset.s32 $0xFFFFF086  }
0x25: {  	[simem:s6], [sflag:s4] =	dma.local [hbm:s3], $0xF7A  }
0x26: {  	[smem:$0x3F96] =	sst s1;
	(tag) =	ssettag s2;
	_ =	strace s9  }
0x27: {  	s1 =	sld [smem:$0x3FA6]  }
0x28: {  	s2 =	sld [smem:$0x3FA7]  }
0x29: {  	s4 =	sld [smem:$0x3FA9]  }
0x2a: {  	p0 =	seq.s32 s5, $0x0;
	s5 =	sld [smem:$0x3FAA]  }
0x2b: {  	s6 =	sld [smem:$0x3FAB]  }
0x2c: {  	s7 =	sld [smem:$0x3FAC]  }
0x2d: {  	s3 =	simm.s32 $0x108;
	s8 =	sld [smem:$0x3FAD]  }
0x2e: {  	s3 =	simm.s32 @!p0 $0x1082;
	s9 =	sld [smem:$0x3FAE]  }
0x2f: {  	lr =	sadd.s32 s0, s3;
	s0 =	sld [smem:$0x3FA5]  }
0x30: {  	s3 =	sld [smem:$0x3FA8]  }
0x31: {  	[smem:$0x3FB1] =	sst s10  }
0x32: {  	s10 =	sld [smem:$0x3FAF];
	_ =	sdelay $0x3  }
0x33: {  	p0 =	seq.s32 s10, $0x1;
	s10 =	sld [smem:$0x3FB1];
	_ =	sdelay $0x3  }
0x34: {  	[smem:$0x3FB1] =	sst s10  }
0x35: {  	s10 =	sld [smem:$0x3FB0];
	_ =	sdelay $0x3  }
0x36: {  	p1 =	seq.s32 s10, $0x1;
	s10 =	sld [smem:$0x3FB1];
	_ =	sdelay $0x3  }
0x37: {  	[smem:$0x3FB1] =	sst s10  }
0x38: {  	s10 =	sld [smem:$0x3FB2]  }
0x39: {  	_ = 	snop;
	(pc) =	sbr.ind lr, $3  }
0x3a: {  	_ = 	snop  }
0x3b: {  	_ = 	snop  }
0x3c: {  	p2 =	seq.s32 s10, $0x1;
	s10 =	sld [smem:$0x3FB1]  }
0x3d: {  	_ =	shalt  }
0x3e: {  	_ =	shalt  }
0x3f: {  	_ =	shalt  }
0x40: {  	_ =	shalt  }
0x41: {  	_ =	shalt  }
0x42: {  	_ =	shalt  }
0x43: {  	_ =	shalt  }
0x44: {  	_ =	shalt  }
0x45: {  	_ =	shalt  }
0x46: {  	_ =	shalt  }
0x47: {  	_ =	shalt  }
0x48: {  	_ =	shalt  }
0x49: {  	_ =	shalt  }
0x4a: {  	_ =	shalt  }
0x4b: {  	_ =	shalt  }
0x4c: {  	_ =	shalt  }
0x4d: {  	_ =	shalt  }
0x4e: {  	_ =	shalt  }
0x4f: {  	_ =	shalt  }
0x50: {  	_ =	shalt  }
0x51: {  	_ =	shalt  }
0x52: {  	_ =	shalt  }
0x53: {  	_ =	shalt  }
0x54: {  	_ =	shalt  }
0x55: {  	_ =	shalt  }
0x56: {  	_ =	shalt  }
0x57: {  	_ =	shalt  }
0x58: {  	_ =	shalt  }
0x59: {  	_ =	shalt  }
0x5a: {  	_ =	shalt  }
0x5b: {  	_ =	shalt  }
0x5c: {  	_ =	shalt  }
0x5d: {  	_ =	shalt  }
0x5e: {  	_ =	shalt  }
0x5f: {  	_ =	shalt  }
0x60: {  	_ =	shalt  }
0x61: {  	_ =	shalt  }
0x62: {  	_ =	shalt  }
0x63: {  	_ =	shalt  }
0x64: {  	_ =	shalt  }
0x65: {  	_ =	shalt  }
0x66: {  	_ =	shalt  }
0x67: {  	_ =	shalt  }
0x68: {  	_ =	shalt  }
0x69: {  	_ =	shalt  }
0x6a: {  	_ =	shalt  }
0x6b: {  	_ =	shalt  }
0x6c: {  	_ =	shalt  }
0x6d: {  	_ =	shalt  }
0x6e: {  	_ =	shalt  }
0x6f: {  	_ =	shalt  }
0x70: {  	_ =	shalt  }
0x71: {  	_ =	shalt  }
0x72: {  	_ =	shalt  }
0x73: {  	_ =	shalt  }
0x74: {  	_ =	shalt  }
0x75: {  	_ =	shalt  }
0x76: {  	_ =	shalt  }
0x77: {  	_ =	shalt  }
0x78: {  	_ =	shalt  }
0x79: {  	_ =	shalt  }
0x7a: {  	_ =	shalt  }
0x7b: {  	_ =	shalt  }
0x7c: {  	_ =	shalt  }
0x7d: {  	_ =	shalt  }
0x7e: {  	_ =	shalt  }
0x7f: {  	_ =	shalt  }
0x80: {  	_ =	shalt  }
0x81: {  	_ =	shalt  }
0x82: {  	_ =	shalt  }
0x83: {  	_ =	shalt  }
0x84: {  	_ =	shalt  }
0x85: {  	_ =	shalt  }
0x86: {  	_ =	shalt  }
0x87: {  	_ =	shalt  }
.Lfunc_end0:
.L_simem_size_0:
called_computation.1_lowered:
.L_overlay_start_0:
0x88: {  	s2 =	sld [smem:$0x3FD9]  }
0x89: {  	s3 =	sld [smem:$0x3FFE];
	_ =	sdelay $0x1  }
0x8a: {  	s1 =	srdreg.scid  }
0x8b: {  	s0 =	sand.u32 $0x1, s1  }
0x8c: {  	s16 =	sshll.u32 s0, $0xA;
	s2 =	sadd.s32 s3, s2  }
0x8d: {  	s2 =	sadd.s32 s2, s16  }
0x8e: {  	[smem:$0x3FBD] =	sst s2  }
0x8f: {  	_ = 	snop  }
0x90: {  	(tm) =	ssettm $0x1  }
0x91: {  	s17 =	sld [smem:$0x3FFB];
	_ =	sdelay $0x3  }
0x92: {  	_ =	strace s17  }
0x93: {  	s2 =	sld [smem:$0x3FFC];
	_ =	sdelay $0x3  }
0x94: {  	_ =	strace s2  }
0x95: {  	s2 =	sld [smem:$0x3FFD];
	_ =	sdelay $0x3  }
0x96: {  	_ =	strace s2  }
0x97: {  	_ =	strace $0x8FFFFFFF  }
0x98: {  	s18 =	sld [smem:$0x3FDB];
	_ =	sdelay $0x1  }
0x99: {  	s19 =	simm.s32 $_scs_section_size  }
0x9a: {  	s4 =	simm.s32 $_size__tile_overlayer_lowered;
	s5 =	simm.s32 $_tile_overlayer_lowered  }
0x9b: {  	s22 =	simm.s32 $0x1BFF;
	s21 =	sshll.u32 s5, $0x1;
	s2 =	sadd.s32 s19, s18  }
0x9c: {  	s6 =	simm.s32 $0x0;
	s20 =	sshll.u32 s4, $0x1;
	s4 =	sadd.s32 s21, s2  }
0x9d: {  	[timem:s6], [sflag:s22] =	dma.local [hbm:s4], s20  }
0x9e: {  	_ =	swait.ge [sflag:s22], s20  }
0x9f: {  	s3 =	ssub.s32 $0x0, s20;
	[sflag:s22] =	ssyncset.done $0x0  }
0xa0: {  	[sflag:s22] =	ssyncadd.s32 s3;
	_ =	sdelay $0x1  }
0xa1: {  	s23 =	simm.s32 $0x1B8B  }
0xa2: {  	_ =	swait.ge [sflag:s23], $0x1  }
0xa3: {  	[sflag:s23] =	ssyncset.done $0x0  }
0xa4: {  	s25 =	simm.s32 $0x1B8E;
	s24 =	sld [smem:$0x3FFE];
	[sflag:s23] =	ssyncadd.s32 $0xFFFFFFFF  }
0xa5: {  	s26 =	simm.s32 $execute0_lowered;
	[smem:$0x3FD2] =	sst s25  }
0xa6: {  	s4 =	sshll.u32 s26, $0x1;
	_ =	strace $0x80000049;
	[dreg:$0x1] =	wrdreg $0xFFFFFFFF  }
0xa7: {  	s28 =	simm.s32 $_size_execute0_lowered;
	s2 =	sadd.s32 s2, s4;
	[dreg:$0x0] =	wrdreg $0x0  }
0xa8: {  	s4 =	sshll.u32 s28, $0x1;
	[dreg:$0x2] =	wrdreg s2  }
0xa9: {  	[dreg:$0x3] =	wrdreg s4  }
0xaa: {  	[dreg:$0x4] =	wrdreg $0xC0  }
0xab: {  	_ =	task [dreg:s6], $0x5FFFF  }
0xac: {  	[dreg:$0x1] =	wrdreg $0xFFFFFFFF  }
0xad: {  	[dreg:$0x0] =	wrdreg $0x60  }
0xae: {  	[dreg:$0x2] =	wrdreg s24  }
0xaf: {  	[dreg:$0x3] =	wrdreg $0xA  }
0xb0: {  	_ =	task.clear_ibuf [dreg:s6], $0x4FFFF;
	_ =	strace $0x90000049  }
0xb1: {  	s29 =	simm.s32 $0xA;
	_ =	strace $0x8000004B  }
0xb2: {  	_ =	swait.ge [sflag:s29], $0x1  }
0xb3: {  	[sflag:s29] =	ssyncadd.s32 $0xFFFFFFFF  }
0xb4: {  	_ =	strace $0x9000004B  }
0xb5: {  	_ =	sfence  }
0xb6: {  	s30 =	sld [smem:$0x0];
	_ =	sdelay $0x2  }
0xb7: {  	s31 =	sshll.u32 s1, $0xD;
	s1 =	sshrl.u32 s1, $0x2  }
0xb8: {  	s3 =	sand.u32 $0x4000, s31;
	s1 =	sadd.s32 s1, s30  }
0xb9: {  	s0 =	sor.u32 s3, s0;
	s1 =	sshll.u32 s1, $0x11  }
0xba: {  	s0 =	sor.u32 s1, s0  }
0xbb: {  	s0 =	sadd.s32 $0x8F2B, s0  }
0xbc: {  	[sflag:s0] =	ssyncadd.remote.s32 $0x1  }
0xbd: {  	_ =	sfence.sel $0xFFFF  }
0xbe: {  	[dreg:$0x0] =	wrdreg $0xFFFFFFFF;
	(pc) =	sbr.abs _section_cstart, $3  }
0xbf: {  	[dreg:$0x1] =	wrdreg $0xFFFFFFFF  }
0xc0: {  	_ =	task.clear_ibuf [dreg:s6], $0x2FFFF;
	_ =	strace $0x9FFFFFFF  }
0xc1: {  	(tm) =	ssettm $0x7FFFFFFF  }
tec
execute0_lowered:
.L_overlay_start_1:
0x0: {  	(tag) =	ssettag $0x1  }
0x1: {  	s0 =	srdreg.scid  }
0x2: {  	s1 =	sshll.u32 s0, $0x4  }
0x3: {  	s0 =	stileid.u32;
	s1 =	sand.u32 $0x10, s1  }
0x4: {  	s2 =	sor.u32 s0, s1  }
0x5: {  	s3 =	smul.u32 $0x5, s2  }
0x6: {  	s2 =	smin.u32 s2, $0x10  }
0x7: {  	s1 =	sshrl.u32 s1, $0x4;
	s2 =	sadd.s32 s2, s3  }
0x8: {  	s1 =	ssub.s32 s2, s1  }
0x9: {  	s1 =	smul.u32 $0x160, s1;
	_ =	sdelay $0x1  }
0xa: {  	s2 =	smul.u32 $0x160, s2;
	s1 =	sadd.s32 $0x840, s1  }
0xb: {  	s3 =	smin.u32 s1, $0xF200  }
0xc: {  	s7 =	ssub.s32 s3, s2  }
0xd: {  	p0 =	sgt.s32 s7, $0x0  }
0xe: {  	s7 =	simm.s32 @!p0 $0x0  }
0xf: {  	s4 =	smul.u32 $0xBA2F, s7  }
0x10: {  	s9 =	rddreg [dreg:$0x0];
	s6 =	simm.s32 $0x1;
	s11 =	simm.s32 $0x3  }
0x11: {  	s13 =	simm.s32 $0x0;
	s12 =	simm.s32 $0x0;
	s8 =	sshrl.u32 s4, $0x18  }
0x12: {  	s1 =	rddreg [dreg:$0x1];
	_ =	strace $0x8000004A;
	s10 =	smul.u32 $0x160, s8  }
.Ltmp0:
0x13: {  	s5 =	sadd.s32 $0x18D800, s9;
	[sflag:s6] =	ssyncpa.u1 $0x0;
	(pc) =	sbr.rel .LBB2_1-.Ltmp0, $4  }
0x14: {  	s4 =	sadd.s32 $0x5200, s9;
	p0 =	sne.s32 s7, s10;
	s10 =	simm.s32 $0x1  }
0x15: {  	s9 =	sadd.s32 $0x18F800, s9;
	s7 =	simm.s32 $0x2;
	s10 =	simm.s32 @!p0 $0x0  }
0x16: {  	[sflag:s7] =	ssyncpa.u1 $0x0;
	p0 =	por $0x0, $0x0;
	s8 =	sadd.s32 s8, s10  }
0x17: {  	vm0 =	vmmov $0xff;
	vm1 =	vcmask $0x3F20;
	[sflag:s11] =	ssyncpa.u1 $0x0;
	s11 =	smov.u32 s2;
	s10 =	sadd.s32 $0x1, s8  }
.LBB2_6:
0x18: {  	[hbm:s17] =	stream.linear.scatter [tilespmem:s14], [sflag:$0x3], $0x400, $0x38;
	[tilespmem:$0x162C0] =	vst v63  }
.LBB2_7:
0x19: {  	s13 =	sadd.s32 $0x160, s11  }
0x1a: {  	s15 =	smov.u32 s2;
	p2 =	slt.s32 s13, s3  }
0x1b: {  	s15 =	smov.u32 @p2 s13;
	p2 =	sne.s32 s12, s10  }
.Ltmp1:
0x1c: {  	p1 =	slt.u32 s12, $0x2;
	(pc) =	sbr.rel @!p2 .LBB2_8-.Ltmp1, $4  }
0x1d: {  	s14 =	simm.s32 @!p1 $0x3  }
0x1e: {  	s16 =	sadd.s32 $0x1, s12;
	_ =	swait.ge @!p1 [sflag:s14], $0xB000  }
0x1f: {  	p0 =	por !p0, !p0;
	s13 =	smov.u32 s11;
	[sflag:s14] =	ssyncset.done @!p1 $0x0  }
0x20: {  	s12 =	smov.u32 s16;
	s11 =	smov.u32 s15;
	[sflag:s14] =	ssyncadd.s32 @!p1 $0xFFFF5000  }
.LBB2_1:
0x21: {  	p1 =	sge.u32 s12, s8  }
0x22: {  	s14 =	sxor.u32 @!p1 $0xFFFFFFFF, s12  }
0x23: {  	s14 =	sand.u32 @!p1 $0x1, s14  }
0x24: {  	s14 =	smul.u32 @!p1 $0x580, s14  }
0x25: {  	s31 =	sadd.s32 $0xFFFFFFFF, s12;
	s15 =	sshrl.u32 @!p1 s11, $0x3  }
0x26: {  	s16 =	sand.u32 @!p1 $0x7, s11;
	s15 =	sadd.s32 @!p1 s5, s15;
	s14 =	sshrl.u32 @!p1 s14, $0x2  }
0x27: {  	[tilespmem:s14], [sflag:$0x2] =	stream.linear.gather @!p1 [hbm4b:s15+s16], $0x160, $0x38;
	[tilespmem:$0x162C0] =	vst v63  }
0x28: {  	p1 =	sge.u32 s31, s8  }
.Ltmp2:
0x29: {  	_ = 	snop;
	(pc) =	sbr.rel @p1 .LBB2_7-.Ltmp2, $1  }
0x2a: {  	_ =	sdelay $0x3  }
0x2b: {  	s14 =	simm.s32 $0x1  }
0x2c: {  	s14 =	simm.s32 @!p0 $0x0  }
0x2d: {  	s15 =	smul.u32 $0x580, s14  }
0x2e: {  	_ =	swait.ge [sflag:s7], $0x160  }
0x2f: {  	[sflag:s7] =	ssyncset.done $0x0;
	s16 =	sshrl.u32 s15, $0x2  }
0x30: {  	[sflag:s7] =	ssyncadd.s32 $0xFFFFFEA0;
	s15 =	sadd.s32 $0x0, s16  }
0x31: {  	v0 =	vld.msk [tilespmem:s15+$0x0 ss:$0x1], $0xffff;
	_ =	sdelay $0x4  }
0x32: {  	vm2 =	vgt.s32 v0, $0x0  }
0x33: {  	v0 =	vnsel vm2, $0x0, v0  }
0x34: {  	v0 =	vmin.u32 v0, $0x1869F  }
0x35: {  	v0 =	vshll.u32 v0, $0x4  }
0x36: {  	s14 =	smul.u32 $0x2C000, s14;
	_ =	sdelay $0x1  }
0x37: {  	s14 =	sshrl.u32 s14, $0x2  }
0x38: {  	s14 =	sor.u32 $0x2C0, s14  }
0x39: {  	[tilespmem:s14], [sflag:$0x1] =	stream.indirect_vreg.gather [hbm:s4], $0x80, v0, vm0, $0x38;
	[tilespmem:$0x162C0] =	vst v63  }
0x3a: {  	s17 =	sadd.s32 $0x10, s16;
	s15 =	sadd.s32 $0x400, s14  }
0x3b: {  	[tilespmem:s15], [sflag:$0x1] =	stream.indirect_vreg.gather [hbm:s4], $0x80, v0, vm1, $0x38;
	[tilespmem:$0x162C0] =	vst v63  }
0x3c: {  	s18 =	simm.s32 $0x80;
	v0 =	vld.msk [tilespmem:s17+$0x0 ss:$0x1], $0xffff;
	s17 =	smov.u32 s14  }
.LBB2_3:
0x3d: {  	p1 =	sne.s32 s18, $0x540;
	_ =	sdelay $0x4  }
0x3e: {  	vm2 =	vgt.s32 v0, $0x0  }
0x3f: {  	v0 =	vnsel vm2, $0x0, v0  }
0x40: {  	v0 =	vmin.u32 v0, $0x1869F  }
0x41: {  	v0 =	vshll.u32 v0, $0x4;
	_ =	sdelay $0x3  }
.Ltmp3:
0x42: {  	s19 =	sshra.s32 s18, $0x2;
	s17 =	sadd.s32 $0x800, s17;
	(pc) =	sbr.rel @p1 .LBB2_3-.Ltmp3, $4  }
0x43: {  	[tilespmem:s17], [sflag:$0x1] =	stream.indirect_vreg.gather [hbm:s4], $0x80, v0, vm0, $0x38;
	[tilespmem:$0x162C0] =	vst v63  }
0x44: {  	s19 =	sadd.s32 s19, s16;
	s20 =	sadd.s32 $0x400, s17  }
0x45: {  	[tilespmem:s20], [sflag:$0x1] =	stream.indirect_vreg.gather [hbm:s4], $0x80, v0, vm1, $0x38;
	[tilespmem:$0x162C0] =	vst v63  }
0x46: {  	s18 =	sadd.s32 $0x40, s18;
	v0 =	vld.msk [tilespmem:s19+$0x0 ss:$0x1], $0xffff  }
0x47: {  	_ =	sdelay $0x3  }
0x48: {  	vm2 =	vgt.s32 v0, $0x0  }
0x49: {  	v0 =	vnsel vm2, $0x0, v0  }
0x4a: {  	v0 =	vmin.u32 v0, $0x1869F  }
0x4b: {  	v0 =	vshll.u32 v0, $0x4;
	_ =	sdelay $0x3  }
0x4c: {  	s16 =	sadd.s32 $0x800, s17  }
0x4d: {  	[tilespmem:s16], [sflag:$0x1] =	stream.indirect_vreg.gather [hbm:s4], $0x80, v0, vm0, $0x38;
	[tilespmem:$0x162C0] =	vst v63  }
0x4e: {  	s16 =	sadd.s32 $0x400, s16  }
0x4f: {  	[tilespmem:s16], [sflag:$0x1] =	stream.indirect_vreg.gather [hbm:s4], $0x80, v0, vm1, $0x38;
	[tilespmem:$0x162C0] =	vst v63  }
0x50: {  	s13 =	sshll.u32 s13, $0x4;
	_ =	swait.ge [sflag:s6], $0xB000  }
0x51: {  	s13 =	sadd.s32 s13, s9;
	[sflag:s6] =	ssyncset.done $0x0  }
0x52: {  	s17 =	sadd.s32 $0x0, s13;
	s16 =	simm.s32 $0x80;
	[sflag:s6] =	ssyncadd.s32 $0xFFFF5000  }
.LBB2_5:
0x53: {  	[hbm:s17] =	stream.linear.scatter [tilespmem:s14], [sflag:$0x3], $0x400, $0x38;
	[tilespmem:$0x162C0] =	vst v63  }
0x54: {  	s17 =	smov.u32 s16;
	s14 =	smov.u32 s15;
	p1 =	sne.s32 s16, $0x1580  }
.Ltmp4:
0x55: {  	s16 =	sadd.s32 $0x80, s16;
	(pc) =	sbr.rel @p1 .LBB2_5-.Ltmp4, $2  }
0x56: {  	_ =	sdelay $0x2  }
0x57: {  	s15 =	sadd.s32 $0x400, s15;
	s17 =	sadd.s32 s17, s13  }
.Ltmp5:
0x58: {  	_ = 	snop;
	(pc) =	sbr.rel .LBB2_6-.Ltmp5, $1  }
0x59: {  	_ =	sdelay $0x3  }
.LBB2_8:
0x5a: {  	_ =	sfence.sel $0x180000  }
0x5b: {  	s2 =	simm.s32 $0x2;
	[bflag:$0x0] =	sbarrier.arrive $0xFFFF  }
0x5c: {  	s30 =	simm.s32 $0x3;
	[sflag:s2] =	ssyncpa.u1 $0x1  }
0x5d: {  	s31 =	simm.s32 $0x1;
	[sflag:s30] =	ssyncpa.u1 $0x1  }
0x5e: {  	[sflag:s31] =	ssyncpa.u1 $0x1  }
0x5f: {  	p0 =	sne.s32 s0, $0x0;
	_ =	strace $0x9000004A  }
0x60: {  	s0 =	sadd.s32 @!p0 $0x100000, s1;
	[bflag:$0x2] =	sbarrier.arrive $0xFFFF  }
0x61: {  	[sflag:s0] =	ssyncadd.tile.s32 @!p0 $0x1;
	_ =	shalt  }
.Lfunc_end2:
_tile_overlayer_lowered:
.L_overlay_start_2:
0x62: {  	(tag) =	ssettag $0x2  }
0x63: {  	s0 =	rddreg [dreg:$0x0];
	s2 =	stileid.u32  }
0x64: {  	s1 =	rddreg [dreg:$0x1];
	p0 =	sne.s32 s2, $0x0  }
0x65: {  	s3 =	rddreg [dreg:$0x2];
	[bflag:$0x3] =	sbarrier.arrive $0xFFFF;
	s2 =	simm.s32 @!p0 $0x1C01  }
0x66: {  	[timem:s3], [sflag:s2] =	dma.local @!p0 [hbm:s0], s1  }
0x67: {  	s0 =	simm.s32 @!p0 $0x1  }
0x68: {  	_ =	swait.ge @!p0 [sflag:s0], s1  }
0x69: {  	s1 =	ssub.s32 @!p0 $0x0, s1;
	[sflag:s0] =	ssyncset.done @!p0 $0x0  }
0x6a: {  	[sflag:s0] =	ssyncadd.s32 @!p0 s1  }
0x6b: {  	[bflag:$0x3] =	sbarrier.arrive $0xFFFF  }
0x6c: {  	_ =	shalt  }

// kernel: gather_offload_async_start
scs
__scs_entry_jumppad:
0x0: {  	(pc) =	sbr.rel $0x88, $3  }
0x1: {  	(tag) =	ssettag $0x0;
	lr =	simm.s32 $0x1  }
0x2: {  	[smem:$0x3F96] =	sst lr;
	_ =	strace $0xD0000000  }
0x3: {  	_ = 	snop  }
0x4: {  	_ = 	snop  }
0x5: {  	_ = 	snop  }
0x6: {  	_ = 	snop  }
0x7: {  	_ = 	snop  }
__scs_overlays_trampoline_lowered:
0x8: {  	[smem:$0x3FA5] =	sst s0  }
0x9: {  	[smem:$0x3FA6] =	sst s1  }
0xa: {  	[smem:$0x3FA7] =	sst s2  }
0xb: {  	[smem:$0x3FA8] =	sst s3  }
0xc: {  	[smem:$0x3FA9] =	sst s4  }
0xd: {  	[smem:$0x3FAA] =	sst s5  }
0xe: {  	[smem:$0x3FAB] =	sst s6  }
0xf: {  	[smem:$0x3FAC] =	sst s7  }
0x10: {  	[smem:$0x3FAD] =	sst s8  }
0x11: {  	[smem:$0x3FAE] =	sst s9;
	s0 =	simm.s32 @!p0 $0x0  }
0x12: {  	s1 =	sld [smem:$0x3F94];
	s0 =	simm.s32 @p0 $0x1  }
0x13: {  	[smem:$0x3FAF] =	sst s0;
	s0 =	simm.s32 @!p1 $0x0  }
0x14: {  	s2 =	sld [smem:$0x3F93];
	s0 =	simm.s32 @p1 $0x1  }
0x15: {  	[smem:$0x3FB0] =	sst s0;
	s0 =	simm.s32 @!p2 $0x0  }
0x16: {  	s3 =	sld [smem:$0x3FDB];
	s0 =	simm.s32 @p2 $0x1  }
0x17: {  	s4 =	simm.s32 $0x1BF5;
	[smem:$0x3FB2] =	sst s0  }
0x18: {  	s0 =	sld [smem:$0x3F95];
	_ =	swait.ge [sflag:s4], $0x0  }
0x19: {  	s7 =	sld [smem:$0x3F96]  }
0x1a: {  	s8 =	sadd.s32 $0xFFFFE003, lr  }
0x1b: {  	s9 =	sadd.s32 $0xFFFFFEF7, lr;
	s5 =	simm.s32 $0xFFFFFFFF;
	p2 =	slt.u32 s8, $0xFFFFF086  }
0x1c: {  	p1 =	slt.u32 s9, $0xF7A;
	s5 =	simm.s32 @!p2 $0x0  }
0x1d: {  	s5 =	simm.s32 @p1 $0x1;
	p0 =	seq.s32 s7, s2  }
0x1e: {  	s7 =	smul.u32 @!p0 $0xF7A, s2;
	p2 =	seq.s32 @!p0 s5, $0x0  }
0x1f: {  	s9 =	smul.u32 $0xF7A, s1;
	s8 =	simm.s32 @!p0 $0x1BF5;
	p2 =	por !p2, p0  }
0x20: {  	[sflag:s8] =	ssyncset.s32 @!p0 $0xFFFFF086;
	s6 =	sadd.s32 @!p0 s3, s7;
	s7 =	simm.s32 @!p0 $0x108  }
0x21: {  	s3 =	sadd.s32 s3, s9;
	s6 =	sadd.s32 @!p0 $0x88, s6;
	s7 =	simm.s32 @p2 $0x1082  }
0x22: {  	[simem:s7], [sflag:s8] =	dma.local @!p0 [hbm:s6], $0xF7A  }
0x23: {  	s9 =	sor.u32 $0xD0000000, s2;
	s6 =	simm.s32 $0x108;
	_ =	swait.ge @!p0 [sflag:s8], $0x0  }
0x24: {  	s3 =	sadd.s32 $0x88, s3;
	s6 =	simm.s32 @!p1 $0x1082;
	[sflag:s4] =	ssyncset.s32 $0xFFFFF086  }
0x25: {  	[simem:s6], [sflag:s4] =	dma.local [hbm:s3], $0xF7A  }
0x26: {  	[smem:$0x3F96] =	sst s1;
	(tag) =	ssettag s2;
	_ =	strace s9  }
0x27: {  	s1 =	sld [smem:$0x3FA6]  }
0x28: {  	s2 =	sld [smem:$0x3FA7]  }
0x29: {  	s4 =	sld [smem:$0x3FA9]  }
0x2a: {  	p0 =	seq.s32 s5, $0x0;
	s5 =	sld [smem:$0x3FAA]  }
0x2b: {  	s6 =	sld [smem:$0x3FAB]  }
0x2c: {  	s7 =	sld [smem:$0x3FAC]  }
0x2d: {  	s3 =	simm.s32 $0x108;
	s8 =	sld [smem:$0x3FAD]  }
0x2e: {  	s3 =	simm.s32 @!p0 $0x1082;
	s9 =	sld [smem:$0x3FAE]  }
0x2f: {  	lr =	sadd.s32 s0, s3;
	s0 =	sld [smem:$0x3FA5]  }
0x30: {  	s3 =	sld [smem:$0x3FA8]  }
0x31: {  	[smem:$0x3FB1] =	sst s10  }
0x32: {  	s10 =	sld [smem:$0x3FAF];
	_ =	sdelay $0x3  }
0x33: {  	p0 =	seq.s32 s10, $0x1;
	s10 =	sld [smem:$0x3FB1];
	_ =	sdelay $0x3  }
0x34: {  	[smem:$0x3FB1] =	sst s10  }
0x35: {  	s10 =	sld [smem:$0x3FB0];
	_ =	sdelay $0x3  }
0x36: {  	p1 =	seq.s32 s10, $0x1;
	s10 =	sld [smem:$0x3FB1];
	_ =	sdelay $0x3  }
0x37: {  	[smem:$0x3FB1] =	sst s10  }
0x38: {  	s10 =	sld [smem:$0x3FB2]  }
0x39: {  	_ = 	snop;
	(pc) =	sbr.ind lr, $3  }
0x3a: {  	_ = 	snop  }
0x3b: {  	_ = 	snop  }
0x3c: {  	p2 =	seq.s32 s10, $0x1;
	s10 =	sld [smem:$0x3FB1]  }
0x3d: {  	_ =	shalt  }
0x3e: {  	_ =	shalt  }
0x3f: {  	_ =	shalt  }
0x40: {  	_ =	shalt  }
0x41: {  	_ =	shalt  }
0x42: {  	_ =	shalt  }
0x43: {  	_ =	shalt  }
0x44: {  	_ =	shalt  }
0x45: {  	_ =	shalt  }
0x46: {  	_ =	shalt  }
0x47: {  	_ =	shalt  }
0x48: {  	_ =	shalt  }
0x49: {  	_ =	shalt  }
0x4a: {  	_ =	shalt  }
0x4b: {  	_ =	shalt  }
0x4c: {  	_ =	shalt  }
0x4d: {  	_ =	shalt  }
0x4e: {  	_ =	shalt  }
0x4f: {  	_ =	shalt  }
0x50: {  	_ =	shalt  }
0x51: {  	_ =	shalt  }
0x52: {  	_ =	shalt  }
0x53: {  	_ =	shalt  }
0x54: {  	_ =	shalt  }
0x55: {  	_ =	shalt  }
0x56: {  	_ =	shalt  }
0x57: {  	_ =	shalt  }
0x58: {  	_ =	shalt  }
0x59: {  	_ =	shalt  }
0x5a: {  	_ =	shalt  }
0x5b: {  	_ =	shalt  }
0x5c: {  	_ =	shalt  }
0x5d: {  	_ =	shalt  }
0x5e: {  	_ =	shalt  }
0x5f: {  	_ =	shalt  }
0x60: {  	_ =	shalt  }
0x61: {  	_ =	shalt  }
0x62: {  	_ =	shalt  }
0x63: {  	_ =	shalt  }
0x64: {  	_ =	shalt  }
0x65: {  	_ =	shalt  }
0x66: {  	_ =	shalt  }
0x67: {  	_ =	shalt  }
0x68: {  	_ =	shalt  }
0x69: {  	_ =	shalt  }
0x6a: {  	_ =	shalt  }
0x6b: {  	_ =	shalt  }
0x6c: {  	_ =	shalt  }
0x6d: {  	_ =	shalt  }
0x6e: {  	_ =	shalt  }
0x6f: {  	_ =	shalt  }
0x70: {  	_ =	shalt  }
0x71: {  	_ =	shalt  }
0x72: {  	_ =	shalt  }
0x73: {  	_ =	shalt  }
0x74: {  	_ =	shalt  }
0x75: {  	_ =	shalt  }
0x76: {  	_ =	shalt  }
0x77: {  	_ =	shalt  }
0x78: {  	_ =	shalt  }
0x79: {  	_ =	shalt  }
0x7a: {  	_ =	shalt  }
0x7b: {  	_ =	shalt  }
0x7c: {  	_ =	shalt  }
0x7d: {  	_ =	shalt  }
0x7e: {  	_ =	shalt  }
0x7f: {  	_ =	shalt  }
0x80: {  	_ =	shalt  }
0x81: {  	_ =	shalt  }
0x82: {  	_ =	shalt  }
0x83: {  	_ =	shalt  }
0x84: {  	_ =	shalt  }
0x85: {  	_ =	shalt  }
0x86: {  	_ =	shalt  }
0x87: {  	_ =	shalt  }
.Lfunc_end0:
.L_simem_size_0:
called_computation_lowered:
.L_overlay_start_0:
0x88: {  	s2 =	sld [smem:$0x3FD9]  }
0x89: {  	s3 =	sld [smem:$0x3FFE];
	_ =	sdelay $0x1  }
0x8a: {  	s1 =	srdreg.scid  }
0x8b: {  	s0 =	sand.u32 $0x1, s1  }
0x8c: {  	s16 =	sshll.u32 s0, $0xA;
	s2 =	sadd.s32 s3, s2  }
0x8d: {  	s2 =	sadd.s32 s2, s16  }
0x8e: {  	[smem:$0x3FBD] =	sst s2  }
0x8f: {  	_ = 	snop  }
0x90: {  	(tm) =	ssettm $0x1  }
0x91: {  	s17 =	sld [smem:$0x3FFB];
	_ =	sdelay $0x3  }
0x92: {  	_ =	strace s17  }
0x93: {  	s2 =	sld [smem:$0x3FFC];
	_ =	sdelay $0x3  }
0x94: {  	_ =	strace s2  }
0x95: {  	s2 =	sld [smem:$0x3FFD];
	_ =	sdelay $0x3  }
0x96: {  	_ =	strace s2  }
0x97: {  	_ =	strace $0x8FFFFFFF  }
0x98: {  	s18 =	sld [smem:$0x3FDB];
	_ =	sdelay $0x1  }
0x99: {  	s19 =	simm.s32 $_scs_section_size  }
0x9a: {  	s4 =	simm.s32 $_size__tile_overlayer_lowered;
	s5 =	simm.s32 $_tile_overlayer_lowered  }
0x9b: {  	s22 =	simm.s32 $0x1BFF;
	s21 =	sshll.u32 s5, $0x1;
	s2 =	sadd.s32 s19, s18  }
0x9c: {  	s6 =	simm.s32 $0x0;
	s20 =	sshll.u32 s4, $0x1;
	s4 =	sadd.s32 s21, s2  }
0x9d: {  	[timem:s6], [sflag:s22] =	dma.local [hbm:s4], s20  }
0x9e: {  	_ =	swait.ge [sflag:s22], s20  }
0x9f: {  	s3 =	ssub.s32 $0x0, s20;
	[sflag:s22] =	ssyncset.done $0x0  }
0xa0: {  	[sflag:s22] =	ssyncadd.s32 s3;
	_ =	sdelay $0x1  }
0xa1: {  	s23 =	simm.s32 $0x1B8B  }
0xa2: {  	_ =	swait.ge [sflag:s23], $0x1  }
0xa3: {  	[sflag:s23] =	ssyncset.done $0x0  }
0xa4: {  	s25 =	simm.s32 $0x1B8E;
	s24 =	sld [smem:$0x3FFE];
	[sflag:s23] =	ssyncadd.s32 $0xFFFFFFFF  }
0xa5: {  	s26 =	simm.s32 $execute0_lowered;
	[smem:$0x3FD2] =	sst s25  }
0xa6: {  	s4 =	sshll.u32 s26, $0x1;
	_ =	strace $0x80000046;
	[dreg:$0x1] =	wrdreg $0xFFFFFFFF  }
0xa7: {  	s28 =	simm.s32 $_size_execute0_lowered;
	s2 =	sadd.s32 s2, s4;
	[dreg:$0x0] =	wrdreg $0x0  }
0xa8: {  	s4 =	sshll.u32 s28, $0x1;
	[dreg:$0x2] =	wrdreg s2  }
0xa9: {  	[dreg:$0x3] =	wrdreg s4  }
0xaa: {  	[dreg:$0x4] =	wrdreg $0xC0  }
0xab: {  	_ =	task [dreg:s6], $0x5FFFF  }
0xac: {  	[dreg:$0x1] =	wrdreg $0xFFFFFFFF  }
0xad: {  	[dreg:$0x0] =	wrdreg $0x60  }
0xae: {  	[dreg:$0x2] =	wrdreg s24  }
0xaf: {  	[dreg:$0x3] =	wrdreg $0x9  }
0xb0: {  	_ =	task.clear_ibuf [dreg:s6], $0x4FFFF;
	_ =	strace $0x90000046  }
0xb1: {  	s29 =	simm.s32 $0x9;
	_ =	strace $0x80000048  }
0xb2: {  	_ =	swait.ge [sflag:s29], $0x1  }
0xb3: {  	[sflag:s29] =	ssyncadd.s32 $0xFFFFFFFF  }
0xb4: {  	_ =	strace $0x90000048  }
0xb5: {  	_ =	sfence  }
0xb6: {  	s30 =	sld [smem:$0x0];
	_ =	sdelay $0x2  }
0xb7: {  	s31 =	sshll.u32 s1, $0xD;
	s1 =	sshrl.u32 s1, $0x2  }
0xb8: {  	s3 =	sand.u32 $0x4000, s31;
	s1 =	sadd.s32 s1, s30  }
0xb9: {  	s0 =	sor.u32 s3, s0;
	s1 =	sshll.u32 s1, $0x11  }
0xba: {  	s0 =	sor.u32 s1, s0  }
0xbb: {  	s0 =	sadd.s32 $0x8F2B, s0  }
0xbc: {  	[sflag:s0] =	ssyncadd.remote.s32 $0x1  }
0xbd: {  	_ =	sfence.sel $0xFFFF  }
0xbe: {  	[dreg:$0x0] =	wrdreg $0xFFFFFFFF;
	(pc) =	sbr.abs _section_cstart, $3  }
0xbf: {  	[dreg:$0x1] =	wrdreg $0xFFFFFFFF  }
0xc0: {  	_ =	task.clear_ibuf [dreg:s6], $0x2FFFF;
	_ =	strace $0x9FFFFFFF  }
0xc1: {  	(tm) =	ssettm $0x7FFFFFFF  }
tec
execute0_lowered:
.L_overlay_start_1:
0x0: {  	(tag) =	ssettag $0x1  }
0x1: {  	s7 =	rddreg [dreg:$0x0]  }
0x2: {  	s1 =	srdreg.scid;
	s0 =	rddreg [dreg:$0x1]  }
0x3: {  	_ =	strace $0x80000047;
	s3 =	simm.s32 $0x1;
	s5 =	simm.s32 $0x2  }
0x4: {  	s9 =	simm.s32 $0x3;
	s12 =	simm.s32 $0x0;
	s2 =	sshll.u32 s1, $0x4  }
.Ltmp0:
0x5: {  	s1 =	stileid.u32;
	s4 =	sand.u32 $0x10, s2;
	(pc) =	sbr.rel .LBB2_1-.Ltmp0, $4  }
0x6: {  	s10 =	simm.s32 $0x0;
	[sflag:s3] =	ssyncpa.u1 $0x0;
	s4 =	sor.u32 s1, s4  }
0x7: {  	s6 =	sadd.s32 $0x4E00, s7;
	[sflag:s5] =	ssyncpa.u1 $0x0;
	s4 =	smul.u32 $0xB0, s4  }
0x8: {  	s2 =	sadd.s32 $0x5200, s7;
	s7 =	sadd.s32 $0x18BC00, s7;
	[sflag:s9] =	ssyncpa.u1 $0x0  }
0x9: {  	vm0 =	vmmov $0xff;
	vm1 =	vcmask $0x3F20;
	s9 =	simm.s32 $0xB0;
	s8 =	sadd.s32 $0xB0, s4;
	s11 =	smov.u32 s4  }
.LBB2_10:
0xa: {  	s12 =	sshrl.u32 s11, $0x3  }
0xb: {  	s13 =	sand.u32 $0x7, s11;
	s12 =	sadd.s32 s6, s12  }
0xc: {  	[tilespmem:s9], [sflag:$0x2] =	stream.linear.gather [hbm4b:s12+s13], $0xB0, $0x38;
	[tilespmem:$0xB160] =	vst v63  }
.LBB2_8:
0xd: {  	s12 =	sadd.s32 $0xB0, s11  }
0xe: {  	s13 =	smov.u32 s4;
	p0 =	slt.s32 s12, s8  }
0xf: {  	s13 =	smov.u32 @p0 s12  }
0x10: {  	s10 =	sadd.s32 $0x1, s10;
	s12 =	smov.u32 s11;
	s11 =	smov.u32 s13  }
.LBB2_1:
0x11: {  	p0 =	seq.s32 s10, $0x0  }
.Ltmp1:
0x12: {  	_ = 	snop;
	(pc) =	sbr.rel @p0 .LBB2_10-.Ltmp1, $1  }
0x13: {  	_ =	sdelay $0x3  }
0x14: {  	p0 =	seq.s32 s10, $0x1  }
.Ltmp2:
0x15: {  	_ = 	snop;
	(pc) =	sbr.rel @!p0 .LBB2_9-.Ltmp2, $1  }
0x16: {  	_ =	sdelay $0x3  }
0x17: {  	_ =	swait.ge [sflag:s5], $0xB0  }
0x18: {  	[sflag:s5] =	ssyncset.done $0x0  }
0x19: {  	s13 =	simm.s32 $0x0;
	[sflag:s5] =	ssyncadd.s32 $0xFFFFFF50  }
0x1a: {  	v0 =	vld.msk [tilespmem:s13+$0xB0 ss:$0x1], $0xffff;
	_ =	sdelay $0x4  }
0x1b: {  	vm2 =	vgt.s32 v0, $0x0  }
0x1c: {  	v0 =	vnsel vm2, $0x0, v0  }
0x1d: {  	v0 =	vmin.u32 v0, $0x1869F  }
0x1e: {  	v0 =	vshll.u32 v0, $0x4;
	_ =	sdelay $0x3  }
0x1f: {  	s13 =	simm.s32 $0x5960  }
0x20: {  	[tilespmem:s13], [sflag:$0x1] =	stream.indirect_vreg.gather [hbm:s2], $0x80, v0, vm0, $0x38;
	[tilespmem:$0xB160] =	vst v63  }
0x21: {  	s14 =	simm.s32 $0x5D60;
	s31 =	simm.s32 $0x10  }
0x22: {  	[tilespmem:s14], [sflag:$0x1] =	stream.indirect_vreg.gather [hbm:s2], $0x80, v0, vm1, $0x38;
	[tilespmem:$0xB160] =	vst v63  }
0x23: {  	s14 =	simm.s32 $0x80;
	v0 =	vld.msk [tilespmem:s31+$0xB0 ss:$0x1], $0xffff  }
.LBB2_4:
0x24: {  	p0 =	sne.s32 s14, $0x280;
	_ =	sdelay $0x4  }
0x25: {  	vm2 =	vgt.s32 v0, $0x0  }
0x26: {  	v0 =	vnsel vm2, $0x0, v0  }
0x27: {  	v0 =	vmin.u32 v0, $0x1869F  }
0x28: {  	v0 =	vshll.u32 v0, $0x4;
	_ =	sdelay $0x3  }
.Ltmp3:
0x29: {  	s13 =	sadd.s32 $0x800, s13;
	(pc) =	sbr.rel @p0 .LBB2_4-.Ltmp3, $4  }
0x2a: {  	[tilespmem:s13], [sflag:$0x1] =	stream.indirect_vreg.gather [hbm:s2], $0x80, v0, vm0, $0x38;
	[tilespmem:$0xB160] =	vst v63  }
0x2b: {  	s15 =	sshra.s32 s14, $0x2;
	s16 =	sadd.s32 $0x400, s13  }
0x2c: {  	[tilespmem:s16], [sflag:$0x1] =	stream.indirect_vreg.gather [hbm:s2], $0x80, v0, vm1, $0x38;
	[tilespmem:$0xB160] =	vst v63  }
0x2d: {  	s14 =	sadd.s32 $0x40, s14;
	v0 =	vld.msk [tilespmem:s15+$0xB0 ss:$0x1], $0xffff  }
0x2e: {  	_ =	sdelay $0x3  }
0x2f: {  	vm2 =	vgt.s32 v0, $0x0  }
0x30: {  	v0 =	vnsel vm2, $0x0, v0  }
0x31: {  	v0 =	vmin.u32 v0, $0x1869F  }
0x32: {  	v0 =	vshll.u32 v0, $0x4;
	_ =	sdelay $0x3  }
0x33: {  	s13 =	sadd.s32 $0x800, s13  }
0x34: {  	[tilespmem:s13], [sflag:$0x1] =	stream.indirect_vreg.gather [hbm:s2], $0x80, v0, vm0, $0x38;
	[tilespmem:$0xB160] =	vst v63  }
0x35: {  	s13 =	sadd.s32 $0x400, s13  }
0x36: {  	[tilespmem:s13], [sflag:$0x1] =	stream.indirect_vreg.gather [hbm:s2], $0x80, v0, vm1, $0x38;
	[tilespmem:$0xB160] =	vst v63  }
0x37: {  	s12 =	sshll.u32 s12, $0x4;
	s14 =	simm.s32 $0x80;
	_ =	swait.ge [sflag:s3], $0x5800  }
0x38: {  	s15 =	simm.s32 $0x5D60;
	s12 =	sadd.s32 s12, s7;
	[sflag:s3] =	ssyncset.done $0x0  }
0x39: {  	s16 =	sadd.s32 $0x0, s12;
	s13 =	simm.s32 $0x5960;
	[sflag:s3] =	ssyncadd.s32 $0xFFFFA800  }
.LBB2_6:
0x3a: {  	[hbm:s16] =	stream.linear.scatter [tilespmem:s13], [sflag:$0x3], $0x400, $0x38;
	[tilespmem:$0xB160] =	vst v63  }
0x3b: {  	s16 =	smov.u32 s14;
	s13 =	smov.u32 s15;
	p0 =	seq.s32 s14, $0xA80  }
.Ltmp4:
0x3c: {  	s14 =	sadd.s32 $0x80, s14;
	(pc) =	sbr.rel @!p0 .LBB2_6-.Ltmp4, $2  }
0x3d: {  	_ =	sdelay $0x2  }
0x3e: {  	s15 =	sadd.s32 $0x400, s15;
	s16 =	sadd.s32 s16, s12  }
.Ltmp5:
0x3f: {  	(pc) =	sbr.rel .LBB2_8-.Ltmp5, $2  }
0x40: {  	_ =	sdelay $0x2  }
0x41: {  	[hbm:s16] =	stream.linear.scatter [tilespmem:s13], [sflag:$0x3], $0x400, $0x38;
	[tilespmem:$0xB160] =	vst v63  }
.LBB2_9:
0x42: {  	s2 =	simm.s32 $0x3  }
0x43: {  	_ =	swait.ge [sflag:s2], $0x5800  }
0x44: {  	[sflag:s2] =	ssyncset.done $0x0  }
0x45: {  	[sflag:s2] =	ssyncadd.s32 $0xFFFFA800  }
0x46: {  	_ =	sfence.sel $0x180000  }
0x47: {  	s3 =	simm.s32 $0x2;
	[bflag:$0x0] =	sbarrier.arrive $0xFFFF  }
0x48: {  	[sflag:s3] =	ssyncpa.u1 $0x1  }
0x49: {  	s31 =	simm.s32 $0x1;
	[sflag:s2] =	ssyncpa.u1 $0x1  }
0x4a: {  	[sflag:s31] =	ssyncpa.u1 $0x1  }
0x4b: {  	p0 =	sne.s32 s1, $0x0;
	_ =	strace $0x90000047  }
0x4c: {  	s0 =	sadd.s32 @!p0 $0x100000, s0;
	[bflag:$0x2] =	sbarrier.arrive $0xFFFF  }
0x4d: {  	[sflag:s0] =	ssyncadd.tile.s32 @!p0 $0x1;
	_ =	shalt  }
.Lfunc_end2:
_tile_overlayer_lowered:
.L_overlay_start_2:
0x4e: {  	(tag) =	ssettag $0x2  }
0x4f: {  	s0 =	rddreg [dreg:$0x0];
	s2 =	stileid.u32  }
0x50: {  	s1 =	rddreg [dreg:$0x1];
	p0 =	sne.s32 s2, $0x0  }
0x51: {  	s3 =	rddreg [dreg:$0x2];
	[bflag:$0x3] =	sbarrier.arrive $0xFFFF;
	s2 =	simm.s32 @!p0 $0x1C01  }
0x52: {  	[timem:s3], [sflag:s2] =	dma.local @!p0 [hbm:s0], s1  }
0x53: {  	s0 =	simm.s32 @!p0 $0x1  }
0x54: {  	_ =	swait.ge @!p0 [sflag:s0], s1  }
0x55: {  	s1 =	ssub.s32 @!p0 $0x0, s1;
	[sflag:s0] =	ssyncset.done @!p0 $0x0  }
0x56: {  	[sflag:s0] =	ssyncadd.s32 @!p0 s1  }
0x57: {  	[bflag:$0x3] =	sbarrier.arrive $0xFFFF  }
0x58: {  	_ =	shalt  }

// kernel: kernel.5.cloned.1.call-start
scs
__scs_entry_jumppad:
0x0: {  	(pc) =	sbr.rel $0x88, $3  }
0x1: {  	(tag) =	ssettag $0x0;
	lr =	simm.s32 $0x1  }
0x2: {  	[smem:$0x3F96] =	sst lr;
	_ =	strace $0xD0000000  }
0x3: {  	_ = 	snop  }
0x4: {  	_ = 	snop  }
0x5: {  	_ = 	snop  }
0x6: {  	_ = 	snop  }
0x7: {  	_ = 	snop  }
__scs_overlays_trampoline_lowered:
0x8: {  	[smem:$0x3FA5] =	sst s0  }
0x9: {  	[smem:$0x3FA6] =	sst s1  }
0xa: {  	[smem:$0x3FA7] =	sst s2  }
0xb: {  	[smem:$0x3FA8] =	sst s3  }
0xc: {  	[smem:$0x3FA9] =	sst s4  }
0xd: {  	[smem:$0x3FAA] =	sst s5  }
0xe: {  	[smem:$0x3FAB] =	sst s6  }
0xf: {  	[smem:$0x3FAC] =	sst s7  }
0x10: {  	[smem:$0x3FAD] =	sst s8  }
0x11: {  	[smem:$0x3FAE] =	sst s9;
	s0 =	simm.s32 @!p0 $0x0  }
0x12: {  	s1 =	sld [smem:$0x3F94];
	s0 =	simm.s32 @p0 $0x1  }
0x13: {  	[smem:$0x3FAF] =	sst s0;
	s0 =	simm.s32 @!p1 $0x0  }
0x14: {  	s2 =	sld [smem:$0x3F93];
	s0 =	simm.s32 @p1 $0x1  }
0x15: {  	[smem:$0x3FB0] =	sst s0;
	s0 =	simm.s32 @!p2 $0x0  }
0x16: {  	s3 =	sld [smem:$0x3FDB];
	s0 =	simm.s32 @p2 $0x1  }
0x17: {  	s4 =	simm.s32 $0x1BF5;
	[smem:$0x3FB2] =	sst s0  }
0x18: {  	s0 =	sld [smem:$0x3F95];
	_ =	swait.ge [sflag:s4], $0x0  }
0x19: {  	s7 =	sld [smem:$0x3F96]  }
0x1a: {  	s8 =	sadd.s32 $0xFFFFE003, lr  }
0x1b: {  	s9 =	sadd.s32 $0xFFFFFEF7, lr;
	s5 =	simm.s32 $0xFFFFFFFF;
	p2 =	slt.u32 s8, $0xFFFFF086  }
0x1c: {  	p1 =	slt.u32 s9, $0xF7A;
	s5 =	simm.s32 @!p2 $0x0  }
0x1d: {  	s5 =	simm.s32 @p1 $0x1;
	p0 =	seq.s32 s7, s2  }
0x1e: {  	s7 =	smul.u32 @!p0 $0xF7A, s2;
	p2 =	seq.s32 @!p0 s5, $0x0  }
0x1f: {  	s9 =	smul.u32 $0xF7A, s1;
	s8 =	simm.s32 @!p0 $0x1BF5;
	p2 =	por !p2, p0  }
0x20: {  	[sflag:s8] =	ssyncset.s32 @!p0 $0xFFFFF086;
	s6 =	sadd.s32 @!p0 s3, s7;
	s7 =	simm.s32 @!p0 $0x108  }
0x21: {  	s3 =	sadd.s32 s3, s9;
	s6 =	sadd.s32 @!p0 $0x88, s6;
	s7 =	simm.s32 @p2 $0x1082  }
0x22: {  	[simem:s7], [sflag:s8] =	dma.local @!p0 [hbm:s6], $0xF7A  }
0x23: {  	s9 =	sor.u32 $0xD0000000, s2;
	s6 =	simm.s32 $0x108;
	_ =	swait.ge @!p0 [sflag:s8], $0x0  }
0x24: {  	s3 =	sadd.s32 $0x88, s3;
	s6 =	simm.s32 @!p1 $0x1082;
	[sflag:s4] =	ssyncset.s32 $0xFFFFF086  }
0x25: {  	[simem:s6], [sflag:s4] =	dma.local [hbm:s3], $0xF7A  }
0x26: {  	[smem:$0x3F96] =	sst s1;
	(tag) =	ssettag s2;
	_ =	strace s9  }
0x27: {  	s1 =	sld [smem:$0x3FA6]  }
0x28: {  	s2 =	sld [smem:$0x3FA7]  }
0x29: {  	s4 =	sld [smem:$0x3FA9]  }
0x2a: {  	p0 =	seq.s32 s5, $0x0;
	s5 =	sld [smem:$0x3FAA]  }
0x2b: {  	s6 =	sld [smem:$0x3FAB]  }
0x2c: {  	s7 =	sld [smem:$0x3FAC]  }
0x2d: {  	s3 =	simm.s32 $0x108;
	s8 =	sld [smem:$0x3FAD]  }
0x2e: {  	s3 =	simm.s32 @!p0 $0x1082;
	s9 =	sld [smem:$0x3FAE]  }
0x2f: {  	lr =	sadd.s32 s0, s3;
	s0 =	sld [smem:$0x3FA5]  }
0x30: {  	s3 =	sld [smem:$0x3FA8]  }
0x31: {  	[smem:$0x3FB1] =	sst s10  }
0x32: {  	s10 =	sld [smem:$0x3FAF];
	_ =	sdelay $0x3  }
0x33: {  	p0 =	seq.s32 s10, $0x1;
	s10 =	sld [smem:$0x3FB1];
	_ =	sdelay $0x3  }
0x34: {  	[smem:$0x3FB1] =	sst s10  }
0x35: {  	s10 =	sld [smem:$0x3FB0];
	_ =	sdelay $0x3  }
0x36: {  	p1 =	seq.s32 s10, $0x1;
	s10 =	sld [smem:$0x3FB1];
	_ =	sdelay $0x3  }
0x37: {  	[smem:$0x3FB1] =	sst s10  }
0x38: {  	s10 =	sld [smem:$0x3FB2]  }
0x39: {  	_ = 	snop;
	(pc) =	sbr.ind lr, $3  }
0x3a: {  	_ = 	snop  }
0x3b: {  	_ = 	snop  }
0x3c: {  	p2 =	seq.s32 s10, $0x1;
	s10 =	sld [smem:$0x3FB1]  }
0x3d: {  	_ =	shalt  }
0x3e: {  	_ =	shalt  }
0x3f: {  	_ =	shalt  }
0x40: {  	_ =	shalt  }
0x41: {  	_ =	shalt  }
0x42: {  	_ =	shalt  }
0x43: {  	_ =	shalt  }
0x44: {  	_ =	shalt  }
0x45: {  	_ =	shalt  }
0x46: {  	_ =	shalt  }
0x47: {  	_ =	shalt  }
0x48: {  	_ =	shalt  }
0x49: {  	_ =	shalt  }
0x4a: {  	_ =	shalt  }
0x4b: {  	_ =	shalt  }
0x4c: {  	_ =	shalt  }
0x4d: {  	_ =	shalt  }
0x4e: {  	_ =	shalt  }
0x4f: {  	_ =	shalt  }
0x50: {  	_ =	shalt  }
0x51: {  	_ =	shalt  }
0x52: {  	_ =	shalt  }
0x53: {  	_ =	shalt  }
0x54: {  	_ =	shalt  }
0x55: {  	_ =	shalt  }
0x56: {  	_ =	shalt  }
0x57: {  	_ =	shalt  }
0x58: {  	_ =	shalt  }
0x59: {  	_ =	shalt  }
0x5a: {  	_ =	shalt  }
0x5b: {  	_ =	shalt  }
0x5c: {  	_ =	shalt  }
0x5d: {  	_ =	shalt  }
0x5e: {  	_ =	shalt  }
0x5f: {  	_ =	shalt  }
0x60: {  	_ =	shalt  }
0x61: {  	_ =	shalt  }
0x62: {  	_ =	shalt  }
0x63: {  	_ =	shalt  }
0x64: {  	_ =	shalt  }
0x65: {  	_ =	shalt  }
0x66: {  	_ =	shalt  }
0x67: {  	_ =	shalt  }
0x68: {  	_ =	shalt  }
0x69: {  	_ =	shalt  }
0x6a: {  	_ =	shalt  }
0x6b: {  	_ =	shalt  }
0x6c: {  	_ =	shalt  }
0x6d: {  	_ =	shalt  }
0x6e: {  	_ =	shalt  }
0x6f: {  	_ =	shalt  }
0x70: {  	_ =	shalt  }
0x71: {  	_ =	shalt  }
0x72: {  	_ =	shalt  }
0x73: {  	_ =	shalt  }
0x74: {  	_ =	shalt  }
0x75: {  	_ =	shalt  }
0x76: {  	_ =	shalt  }
0x77: {  	_ =	shalt  }
0x78: {  	_ =	shalt  }
0x79: {  	_ =	shalt  }
0x7a: {  	_ =	shalt  }
0x7b: {  	_ =	shalt  }
0x7c: {  	_ =	shalt  }
0x7d: {  	_ =	shalt  }
0x7e: {  	_ =	shalt  }
0x7f: {  	_ =	shalt  }
0x80: {  	_ =	shalt  }
0x81: {  	_ =	shalt  }
0x82: {  	_ =	shalt  }
0x83: {  	_ =	shalt  }
0x84: {  	_ =	shalt  }
0x85: {  	_ =	shalt  }
0x86: {  	_ =	shalt  }
0x87: {  	_ =	shalt  }
.Lfunc_end0:
.L_simem_size_0:
called_computation.2_lowered:
.L_overlay_start_0:
0x88: {  	s2 =	sld [smem:$0x3FD9]  }
0x89: {  	s3 =	sld [smem:$0x3FFE];
	_ =	sdelay $0x1  }
0x8a: {  	s1 =	srdreg.scid  }
0x8b: {  	s0 =	sand.u32 $0x1, s1  }
0x8c: {  	s17 =	sshll.u32 s0, $0xA;
	s2 =	sadd.s32 s3, s2  }
0x8d: {  	s2 =	sadd.s32 s2, s17  }
0x8e: {  	[smem:$0x3FBD] =	sst s2  }
0x8f: {  	_ = 	snop  }
0x90: {  	s18 =	sld [smem:$0x3FC7];
	(tm) =	ssettm $0x1  }
0x91: {  	s19 =	sld [smem:$0x3FFB];
	_ =	sdelay $0x3  }
0x92: {  	_ =	strace s19  }
0x93: {  	s2 =	sld [smem:$0x3FFC];
	_ =	sdelay $0x3  }
0x94: {  	_ =	strace s2  }
0x95: {  	s2 =	sld [smem:$0x3FFD];
	_ =	sdelay $0x3  }
0x96: {  	_ =	strace s2  }
0x97: {  	_ =	strace $0x8FFFFFFF  }
0x98: {  	s20 =	sld [smem:$0x3FDB];
	_ =	sdelay $0x1  }
0x99: {  	s4 =	simm.s32 $_scs_section_size  }
0x9a: {  	s5 =	simm.s32 $_size__tile_overlayer_lowered;
	s6 =	simm.s32 $_tile_overlayer_lowered  }
0x9b: {  	s7 =	simm.s32 $0x1BFF;
	s21 =	sshll.u32 s6, $0x1;
	s4 =	sadd.s32 s4, s20  }
0x9c: {  	s22 =	simm.s32 $0x0;
	s5 =	sshll.u32 s5, $0x1;
	s6 =	sadd.s32 s21, s4  }
0x9d: {  	[timem:s22], [sflag:s7] =	dma.local [hbm:s6], s5  }
0x9e: {  	_ =	swait.ge [sflag:s7], s5  }
0x9f: {  	s5 =	ssub.s32 $0x0, s5;
	[sflag:s7] =	ssyncset.done $0x0  }
0xa0: {  	[sflag:s7] =	ssyncadd.s32 s5;
	_ =	sdelay $0x1  }
0xa1: {  	s23 =	simm.s32 $0x1B8B  }
0xa2: {  	_ =	swait.ge [sflag:s23], $0x1  }
0xa3: {  	[sflag:s23] =	ssyncset.done $0x0  }
0xa4: {  	[sflag:s23] =	ssyncadd.s32 $0xFFFFFFFF  }
0xa5: {  	s5 =	sld [smem:$0x0]  }
0xa6: {  	s6 =	sand.u32 $0xFFFFFFFE, s1  }
0xa7: {  	p0 =	sne.s32 s1, s6  }
0xa8: {  	s6 =	sshll.u32 @p0 s6, $0xE  }
0xa9: {  	s6 =	sadd.s32 @p0 $0x11B8D, s6;
	s7 =	sshll.u32 @p0 s5, $0x11  }
0xaa: {  	s6 =	sor.u32 @p0 s7, s6  }
0xab: {  	[sflag:s6] =	ssyncadd.remote.s32 @p0 $0x1;
	_ =	sdelay $0x1  }
0xac: {  	s6 =	simm.s32 @p0 $0x1B8D  }
0xad: {  	_ =	swait.eq @p0 [sflag:s6], $0x1  }
0xae: {  	[sflag:s6] =	ssyncadd.s32 @p0 $0xFFFFFFFF  }
0xaf: {  	s7 =	sshll.u32 @!p0 s1, $0xE  }
0xb0: {  	s7 =	sor.u32 @!p0 $0x4000, s7;
	s6 =	simm.s32 @!p0 $0x1B8D  }
0xb1: {  	s5 =	sshll.u32 @!p0 s5, $0x11;
	s7 =	sadd.s32 @!p0 $0x11B8D, s7;
	_ =	swait.eq @!p0 [sflag:s6], $0x1  }
0xb2: {  	s5 =	sor.u32 @!p0 s5, s7;
	[sflag:s6] =	ssyncadd.s32 @!p0 $0xFFFFFFFF  }
0xb3: {  	s25 =	simm.s32 $0x1B8E;
	s24 =	sld [smem:$0x3FFE];
	[sflag:s5] =	ssyncadd.remote.s32 @!p0 $0x1  }
0xb4: {  	s26 =	simm.s32 $execute0_lowered;
	[smem:$0x3FD2] =	sst s25  }
0xb5: {  	s6 =	sshll.u32 s26, $0x1;
	_ =	strace $0x8000004C;
	[dreg:$0x1] =	wrdreg $0xFFFFFFFF  }
0xb6: {  	s28 =	simm.s32 $_size_execute0_lowered;
	s4 =	sadd.s32 s4, s6;
	[dreg:$0x0] =	wrdreg $0x0  }
0xb7: {  	s6 =	sshll.u32 s28, $0x1;
	[dreg:$0x2] =	wrdreg s4  }
0xb8: {  	[dreg:$0x3] =	wrdreg s6  }
0xb9: {  	[dreg:$0x4] =	wrdreg $0xC0  }
0xba: {  	_ =	task [dreg:s22], $0x5FFFF  }
0xbb: {  	[dreg:$0x1] =	wrdreg $0xFFFFFFFF  }
0xbc: {  	[dreg:$0x0] =	wrdreg $0x60  }
0xbd: {  	[dreg:$0x2] =	wrdreg s18  }
0xbe: {  	[dreg:$0x3] =	wrdreg s24  }
0xbf: {  	[dreg:$0x4] =	wrdreg $0x9  }
0xc0: {  	_ =	task.clear_ibuf [dreg:s22], $0x5FFFF;
	_ =	strace $0x9000004C  }
0xc1: {  	s29 =	simm.s32 $0x9;
	_ =	strace $0x80000055  }
0xc2: {  	_ =	swait.ge [sflag:s29], $0x1  }
0xc3: {  	[sflag:s29] =	ssyncadd.s32 $0xFFFFFFFF  }
0xc4: {  	_ =	strace $0x90000055  }
0xc5: {  	_ =	sfence  }
0xc6: {  	s30 =	sld [smem:$0x0];
	_ =	sdelay $0x2  }
0xc7: {  	s31 =	sshll.u32 s1, $0xD;
	s1 =	sshrl.u32 s1, $0x2  }
0xc8: {  	s4 =	sand.u32 $0x4000, s31;
	s1 =	sadd.s32 s1, s30  }
0xc9: {  	s0 =	sor.u32 s4, s0;
	s1 =	sshll.u32 s1, $0x11  }
0xca: {  	s0 =	sor.u32 s1, s0  }
0xcb: {  	s0 =	sadd.s32 $0x8F2B, s0  }
0xcc: {  	[sflag:s0] =	ssyncadd.remote.s32 $0x1  }
0xcd: {  	_ =	sfence.sel $0xFFFF  }
0xce: {  	[dreg:$0x0] =	wrdreg $0xFFFFFFFF;
	(pc) =	sbr.abs _section_cstart, $3  }
0xcf: {  	[dreg:$0x1] =	wrdreg $0xFFFFFFFF  }
0xd0: {  	_ =	task.clear_ibuf [dreg:s22], $0x2FFFF;
	_ =	strace $0x9FFFFFFF  }
0xd1: {  	(tm) =	ssettm $0x7FFFFFFF  }
tec
execute0_lowered:
.L_overlay_start_1:
0x0: {  	(tag) =	ssettag $0x1  }
0x1: {  	s0 =	rddreg [dreg:$0x0]  }
0x2: {  	s4 =	rddreg [dreg:$0x1]  }
0x3: {  	s1 =	simm.s32 $0x0;
	[dreg:$0x3] =	wrdreg s0  }
0x4: {  	s2 =	srdreg.scid;
	s8 =	simm.s32 $0x80;
	s0 =	rddreg [dreg:$0x2]  }
0x5: {  	s9 =	simm.s32 $0x4;
	s10 =	simm.s32 $0x0;
	[smem:$0x7FF] =	sst s1  }
0x6: {  	s3 =	sadd.s32 $0x281800, s4;
	s5 =	sand.u32 $0x1, s2;
	s4 =	sadd.s32 $0x283800, s4  }
0x7: {  	s2 =	stileid.u32;
	_ =	strace $0x8000004D;
	[dreg:$0x5] =	wrdreg s4  }
0x8: {  	s6 =	ssub.s32 $0x2, s5;
	s5 =	sshll.u32 s5, $0x4;
	[dreg:$0x4] =	wrdreg s8  }
0x9: {  	s8 =	simm.s32 $0x5;
	s7 =	sshrl.u32 s6, $0x1;
	s5 =	sor.u32 s2, s5  }
0xa: {  	s6 =	ssub.s32 s6, s7;
	s31 =	sshll.u32 s5, $0x8;
	s4 =	sshll.u32 s5, $0x4  }
0xb: {  	s7 =	simm.s32 $0x1;
	s5 =	sadd.s32 s3, s31;
	s6 =	smax.u32 s6, $0x1  }
.LBB2_1:
0xc: {  	_ =	strace $0x8000004E;
	s11 =	simm.s32 $0x1;
	p0 =	por $0x0, $0x0  }
0xd: {  	[tilespmem:s1], [sflag:$0x1] =	stream.linear.gather [hbm4b:s5+s1], $0x80, $0x200038;
	[tilespmem:$0x8100] =	vst v63  }
0xe: {  	s11 =	simm.s32 @p0 $0x0  }
0xf: {  	p4 =	por $0x1, $0x1;
	s20 =	sand.u32 $0x1, s1;
	p1 =	sne.s32 s11, $0x0  }
0x10: {  	p2 =	por $0x1, $0x1;
	s18 =	simm.s32 $0xE;
	p0 =	por !p4, !p1  }
0x11: {  	s16 =	simm.s32 $0x0;
	p5 =	por $0x0, $0x0;
	p0 =	por !p0, !p0  }
0x12: {  	s23 =	sadd.s32 $0x0, s4;
	s30 =	sadd.s32 $0x1, s20;
	s12 =	sadd.s32 @p0 s4, s11  }
0x13: {  	_ =	strace $0x9000004E;
	s13 =	sand.u32 @p0 $0x1, s7;
	s12 =	sshll.u32 @p0 s12, $0x4  }
0x14: {  	_ =	strace @p0 $0x8000004F;
	s15 =	simm.s32 @p0 $0x0;
	s12 =	sand.u32 @p0 $0x1FFFFFF0, s12  }
0x15: {  	s14 =	sshll.u32 @p0 s13, $0x7;
	s13 =	sadd.s32 @p0 $0x1, s13;
	s12 =	sadd.s32 @p0 s3, s12  }
0x16: {  	[tilespmem:s14], [sflag:s13] =	stream.linear.gather @p0 [hbm4b:s12+s15], $0x80, $0x200038;
	[tilespmem:$0x8100] =	vst v63  }
0x17: {  	p3 =	por p2, p2;
	s21 =	sshll.u32 s20, $0xE;
	_ =	strace @p0 $0x9000004F  }
0x18: {  	s16 =	sand.u32 $0x80, s16;
	p2 =	por p5, p5;
	_ =	strace $0x80000050  }
0x19: {  	s17 =	sadd.s32 $0x1, s11;
	s22 =	sor.u32 $0x100, s21;
	_ =	swait.ge [sflag:s30], $0x80  }
0x1a: {  	s21 =	simm.s32 $0x1;
	p6 =	por p1, p1;
	[sflag:s30] =	ssyncset.done $0x0  }
0x1b: {  	p1 =	por p3, p3;
	p4 =	por $0x1, $0x1;
	[sflag:s30] =	ssyncadd.s32 $0xFFFFFF80  }
0x1c: {  	s12 =	simm.s32 $0xF;
	s15 =	sand.u32 @!p3 $0x1, s1;
	_ =	strace $0x90000050  }
0x1d: {  	s13 =	simm.s32 $0x1;
	p3 =	seq.s32 s17, $0x10;
	_ =	strace $0x80000051  }
0x1e: {  	s13 =	simm.s32 @!p0 $0x0;
	s17 =	simm.s32 @p3 $0x0;
	s19 =	rddreg [dreg:$0x4]  }
0x1f: {  	p0 =	por $0x0, $0x0;
	s14 =	sadd.s32 $0x1, s13;
	s31 =	rddreg [dreg:$0x3]  }
0x20: {  	[tilespmem:s22], [sflag:$0x5] =	stream.indirect.gather [hbm4b:s31+s19], $0x80, s16, s19, $0x2000b8;
	[tilespmem:$0x8100] =	vst v63  }
0x21: {  	p3 =	sne.s32 s11, s17;
	s21 =	simm.s32 @!p0 $0x0;
	_ =	swait.ge [sflag:s8], $0x4000  }
0x22: {  	p5 =	por !p4, !p3;
	p4 =	por $0x0, $0x0;
	[sflag:s8] =	ssyncset.done $0x0  }
0x23: {  	s13 =	simm.s32 $0x0;
	p6 =	por p4, p6;
	[sflag:s8] =	ssyncadd.s32 $0xFFFFC000  }
0x24: {  	s16 =	simm.s32 $0x0;
	s19 =	simm.s32 $0x0;
	_ =	strace $0x90000051  }
.LBB2_2:
0x25: {  	_ =	strace @p6 $0x80000052;
	s13 =	sadd.s32 s21, s13;
	s21 =	smov.u32 s12  }
0x26: {  	s12 =	smov.u32 s18;
	s18 =	sadd.s32 $0xFFFFFFFF, s18;
	p0 =	por p3, p3  }
0x27: {  	s28 =	sshll.u32 @p6 s23, $0xB;
	s20 =	sadd.s32 @p6 $0x3, s20;
	s24 =	simm.s32 @!p0 $0x0  }
0x28: {  	s25 =	rddreg [dreg:$0x5];
	s28 =	sand.u32 @p6 $0x1FFFF800, s28;
	s24 =	simm.s32 @p0 $0x1  }
0x29: {  	s25 =	sadd.s32 @p6 s25, s28;
	s28 =	simm.s32 @p6 $0x0;
	p0 =	sne.s32 s18, $0x0  }
0x2a: {  	[hbm4b:s25+s28] =	stream.linear.scatter @p6 [tilespmem:s22], [sflag:s20], $0x4000, $0x200038;
	[tilespmem:$0x8100] =	vst v63  }
0x2b: {  	s20 =	sadd.s32 @!p1 $0x3, s15;
	s15 =	simm.s32 @!p0 $0x0  }
0x2c: {  	s26 =	simm.s32 $0x1;
	[smem:$0x7FC] =	sst s24;
	s15 =	simm.s32 @p0 $0x1  }
0x2d: {  	s26 =	simm.s32 @!p6 $0x0;
	_ =	strace @p6 $0x90000052;
	[smem:$0x7FD] =	sst s15  }
0x2e: {  	p5 =	por !p5, !p5;
	s19 =	sadd.s32 s26, s19;
	_ =	strace @!p1 $0x80000053  }
0x2f: {  	s24 =	sand.u32 @!p2 $0x1, s13;
	s22 =	sand.u32 @p5 $0x1, s14;
	_ =	swait.ge @!p1 [sflag:s20], $0x4000  }
0x30: {  	s15 =	smov.u32 s24;
	s24 =	sadd.s32 @p5 s4, s17;
	[sflag:s20] =	ssyncset.done @!p1 $0x0  }
0x31: {  	s25 =	sshll.u32 @p5 s22, $0x7;
	s24 =	sshll.u32 @p5 s24, $0x4;
	[sflag:s20] =	ssyncadd.s32 @!p1 $0xFFFFC000  }
0x32: {  	s20 =	sadd.s32 @p5 $0x1, s22;
	s22 =	sand.u32 @p5 $0x1FFFFFF0, s24;
	_ =	strace @!p1 $0x90000053  }
0x33: {  	s24 =	simm.s32 @p5 $0x0;
	s22 =	sadd.s32 @p5 s3, s22;
	_ =	strace @p5 $0x8000004F  }
0x34: {  	[tilespmem:s25], [sflag:s20] =	stream.linear.gather @p5 [hbm4b:s22+s24], $0x80, $0x200038;
	[tilespmem:$0x8100] =	vst v63  }
0x35: {  	s16 =	sadd.s32 s26, s16;
	s26 =	sand.u32 $0x1, s19;
	_ =	strace @p5 $0x9000004F  }
0x36: {  	s24 =	sadd.s32 $0x1, s26;
	_ =	strace $0x80000050  }
0x37: {  	_ =	swait.ge [sflag:s24], $0x80  }
0x38: {  	[sflag:s24] =	ssyncset.done $0x0  }
0x39: {  	s20 =	simm.s32 $0x1;
	[sflag:s24] =	ssyncadd.s32 $0xFFFFFF80  }
0x3a: {  	s20 =	simm.s32 @!p5 $0x0;
	_ =	strace $0x90000050  }
0x3b: {  	s14 =	sadd.s32 s20, s14;
	s20 =	sand.u32 $0x1, s16;
	_ =	strace $0x80000051  }
0x3c: {  	s29 =	sshll.u32 s19, $0x7;
	s25 =	sshll.u32 s20, $0xE;
	s26 =	rddreg [dreg:$0x4]  }
0x3d: {  	s29 =	sand.u32 $0x80, s29;
	s22 =	sor.u32 $0x100, s25;
	s30 =	rddreg [dreg:$0x3]  }
0x3e: {  	[tilespmem:s22], [sflag:$0x5] =	stream.indirect.gather [hbm4b:s30+s26], $0x80, s29, s26, $0x2000b8;
	[tilespmem:$0x8100] =	vst v63  }
0x3f: {  	_ =	swait.ge [sflag:s8], $0x4000  }
0x40: {  	s31 =	sadd.s32 $0x1, s17;
	[sflag:s8] =	ssyncset.done $0x0  }
0x41: {  	s23 =	sadd.s32 s4, s11;
	s11 =	smov.u32 s17;
	[sflag:s8] =	ssyncadd.s32 $0xFFFFC000  }
0x42: {  	p3 =	seq.s32 s31, $0x10;
	s17 =	smov.u32 s31;
	_ =	strace $0x90000051  }
0x43: {  	s17 =	simm.s32 @p3 $0x0;
	s31 =	sld [smem:$0x7FD]  }
0x44: {  	p6 =	sne.s32 s12, $0x1;
	p0 =	sne.s32 s21, $0x10;
	p3 =	sne.s32 s11, s17  }
0x45: {  	p5 =	por !p6, !p3;
	p6 =	seq.s32 s21, $0x1;
	s21 =	simm.s32 $0x1  }
0x46: {  	s21 =	simm.s32 @!p0 $0x0;
	p0 =	seq.s32 s31, $0x1  }
.Ltmp0:
0x47: {  	s30 =	sld [smem:$0x7FC];
	(pc) =	sbr.rel @p0 .LBB2_2-.Ltmp0, $4  }
0x48: {  	_ = 	snop  }
0x49: {  	p4 =	seq.s32 s12, $0x10  }
0x4a: {  	p1 =	por p2, p2;
	p2 =	por p4, p4;
	p4 =	seq.s32 s30, $0x1  }
0x4b: {  	p6 =	por p6, p4  }
0x4c: {  	_ =	strace @p6 $0x80000052;
	s23 =	sshll.u32 @p6 s23, $0xB  }
0x4d: {  	s18 =	rddreg [dreg:$0x5];
	s23 =	sand.u32 @p6 $0x1FFFF800, s23  }
0x4e: {  	s20 =	sadd.s32 @p6 $0x3, s20;
	s18 =	sadd.s32 @p6 s18, s23;
	s23 =	simm.s32 @p6 $0x0  }
0x4f: {  	[hbm4b:s18+s23] =	stream.linear.scatter @p6 [tilespmem:s22], [sflag:s20], $0x4000, $0x200038;
	[tilespmem:$0x8100] =	vst v63  }
0x50: {  	p0 =	por !p5, !p5;
	_ =	strace @p6 $0x90000052  }
0x51: {  	s15 =	sadd.s32 @!p1 $0x3, s15;
	s17 =	sadd.s32 @p0 s4, s17;
	_ =	strace @!p1 $0x80000053  }
0x52: {  	s14 =	sand.u32 @p0 $0x1, s14;
	s17 =	sshll.u32 @p0 s17, $0x4;
	_ =	swait.ge @!p1 [sflag:s15], $0x4000  }
0x53: {  	s18 =	simm.s32 $0x1;
	s20 =	sshll.u32 @p0 s14, $0x7;
	[sflag:s15] =	ssyncset.done @!p1 $0x0  }
0x54: {  	s14 =	sadd.s32 @p0 $0x1, s14;
	s18 =	simm.s32 @!p6 $0x0;
	[sflag:s15] =	ssyncadd.s32 @!p1 $0xFFFFC000  }
0x55: {  	s19 =	sadd.s32 s18, s19;
	s15 =	sand.u32 @p0 $0x1FFFFFF0, s17;
	_ =	strace @!p1 $0x90000053  }
0x56: {  	s17 =	simm.s32 @p0 $0x0;
	s15 =	sadd.s32 @p0 s3, s15;
	_ =	strace @p0 $0x8000004F  }
0x57: {  	[tilespmem:s20], [sflag:s14] =	stream.linear.gather @p0 [hbm4b:s15+s17], $0x80, $0x200038;
	[tilespmem:$0x8100] =	vst v63  }
0x58: {  	s25 =	sand.u32 $0x1, s19;
	_ =	strace @p0 $0x9000004F  }
0x59: {  	s14 =	sadd.s32 $0x1, s25;
	_ =	strace $0x80000050  }
0x5a: {  	_ =	swait.ge [sflag:s14], $0x80  }
0x5b: {  	[sflag:s14] =	ssyncset.done $0x0  }
0x5c: {  	[sflag:s14] =	ssyncadd.s32 $0xFFFFFF80  }
0x5d: {  	s26 =	sadd.s32 s18, s16;
	_ =	strace $0x90000050  }
0x5e: {  	s14 =	sand.u32 $0x1, s26;
	_ =	strace $0x80000051  }
0x5f: {  	s30 =	sshll.u32 s19, $0x7;
	s31 =	sshll.u32 s14, $0xE;
	s28 =	rddreg [dreg:$0x4]  }
0x60: {  	s17 =	sand.u32 $0x80, s30;
	s18 =	sor.u32 $0x100, s31;
	s29 =	rddreg [dreg:$0x3]  }
0x61: {  	[tilespmem:s18], [sflag:$0x5] =	stream.indirect.gather [hbm4b:s29+s28], $0x80, s17, s28, $0x2000b8;
	[tilespmem:$0x8100] =	vst v63  }
0x62: {  	_ =	swait.ge [sflag:s8], $0x4000  }
0x63: {  	[sflag:s8] =	ssyncset.done $0x0  }
0x64: {  	p5 =	por p3, p3;
	p6 =	seq.s32 s12, $0x1;
	[sflag:s8] =	ssyncadd.s32 $0xFFFFC000  }
0x65: {  	s11 =	sadd.s32 s4, s11;
	p0 =	por p6, p5;
	_ =	strace $0x90000051  }
0x66: {  	s11 =	sshll.u32 @p0 s11, $0xB;
	_ =	strace @p0 $0x80000052  }
0x67: {  	s13 =	sadd.s32 s21, s13;
	s11 =	sand.u32 @p0 $0x1FFFF800, s11;
	s12 =	rddreg [dreg:$0x5]  }
0x68: {  	s14 =	sadd.s32 @p0 $0x3, s14;
	s11 =	sadd.s32 @p0 s12, s11;
	s12 =	simm.s32 @p0 $0x0  }
0x69: {  	[hbm4b:s11+s12] =	stream.linear.scatter @p0 [tilespmem:s18], [sflag:s14], $0x4000, $0x200038;
	[tilespmem:$0x8100] =	vst v63  }
0x6a: {  	p1 =	por p2, p2;
	s11 =	sand.u32 @!p2 $0x1, s13;
	_ =	strace @p0 $0x90000052  }
0x6b: {  	s11 =	sadd.s32 @!p1 $0x3, s11;
	_ =	strace @!p1 $0x80000053  }
0x6c: {  	_ =	swait.ge @!p1 [sflag:s11], $0x4000  }
0x6d: {  	[sflag:s11] =	ssyncset.done @!p1 $0x0  }
0x6e: {  	s10 =	sadd.s32 $0x1, s10;
	[sflag:s11] =	ssyncadd.s32 @!p1 $0xFFFFC000  }
0x6f: {  	p0 =	sne.s32 s10, s6;
	_ =	strace @!p1 $0x90000053  }
.Ltmp1:
0x70: {  	_ =	strace $0x80000054;
	(pc) =	sbr.rel @p0 .LBB2_1-.Ltmp1, $4  }
0x71: {  	_ =	swait.ge [sflag:s9], $0x4000  }
0x72: {  	[sflag:s9] =	ssyncset.done $0x0  }
0x73: {  	[sflag:s9] =	ssyncadd.s32 $0xFFFFC000  }
0x74: {  	_ =	strace $0x90000054  }
0x75: {  	_ =	sfence.sel $0x180000  }
0x76: {  	[bflag:$0x0] =	sbarrier.arrive $0xFFFF  }
0x77: {  	p0 =	sne.s32 s2, $0x0;
	_ =	strace $0x9000004D  }
0x78: {  	s0 =	sadd.s32 @!p0 $0x100000, s0;
	[bflag:$0x2] =	sbarrier.arrive $0xFFFF  }
0x79: {  	[sflag:s0] =	ssyncadd.tile.s32 @!p0 $0x1;
	_ =	shalt  }
.Lfunc_end2:
_tile_overlayer_lowered:
.L_overlay_start_2:
0x7a: {  	(tag) =	ssettag $0x2  }
0x7b: {  	s0 =	rddreg [dreg:$0x0];
	s2 =	stileid.u32  }
0x7c: {  	s1 =	rddreg [dreg:$0x1];
	p0 =	sne.s32 s2, $0x0  }
0x7d: {  	s3 =	rddreg [dreg:$0x2];
	[bflag:$0x3] =	sbarrier.arrive $0xFFFF;
	s2 =	simm.s32 @!p0 $0x1C01  }
0x7e: {  	[timem:s3], [sflag:s2] =	dma.local @!p0 [hbm:s0], s1  }
0x7f: {  	s0 =	simm.s32 @!p0 $0x1  }
0x80: {  	_ =	swait.ge @!p0 [sflag:s0], s1  }
0x81: {  	s1 =	ssub.s32 @!p0 $0x0, s1;
	[sflag:s0] =	ssyncset.done @!p0 $0x0  }
0x82: {  	[sflag:s0] =	ssyncadd.s32 @!p0 s1  }
0x83: {  	[bflag:$0x3] =	sbarrier.arrive $0xFFFF  }
0x84: {  	_ =	shalt  }

// kernel: kernel.8.cloned.1.call-start
scs
__scs_entry_jumppad:
0x0: {  	(pc) =	sbr.rel $0x88, $3  }
0x1: {  	(tag) =	ssettag $0x0;
	lr =	simm.s32 $0x1  }
0x2: {  	[smem:$0x3F96] =	sst lr;
	_ =	strace $0xD0000000  }
0x3: {  	_ = 	snop  }
0x4: {  	_ = 	snop  }
0x5: {  	_ = 	snop  }
0x6: {  	_ = 	snop  }
0x7: {  	_ = 	snop  }
__scs_overlays_trampoline_lowered:
0x8: {  	[smem:$0x3FA5] =	sst s0  }
0x9: {  	[smem:$0x3FA6] =	sst s1  }
0xa: {  	[smem:$0x3FA7] =	sst s2  }
0xb: {  	[smem:$0x3FA8] =	sst s3  }
0xc: {  	[smem:$0x3FA9] =	sst s4  }
0xd: {  	[smem:$0x3FAA] =	sst s5  }
0xe: {  	[smem:$0x3FAB] =	sst s6  }
0xf: {  	[smem:$0x3FAC] =	sst s7  }
0x10: {  	[smem:$0x3FAD] =	sst s8  }
0x11: {  	[smem:$0x3FAE] =	sst s9;
	s0 =	simm.s32 @!p0 $0x0  }
0x12: {  	s1 =	sld [smem:$0x3F94];
	s0 =	simm.s32 @p0 $0x1  }
0x13: {  	[smem:$0x3FAF] =	sst s0;
	s0 =	simm.s32 @!p1 $0x0  }
0x14: {  	s2 =	sld [smem:$0x3F93];
	s0 =	simm.s32 @p1 $0x1  }
0x15: {  	[smem:$0x3FB0] =	sst s0;
	s0 =	simm.s32 @!p2 $0x0  }
0x16: {  	s3 =	sld [smem:$0x3FDB];
	s0 =	simm.s32 @p2 $0x1  }
0x17: {  	s4 =	simm.s32 $0x1BF5;
	[smem:$0x3FB2] =	sst s0  }
0x18: {  	s0 =	sld [smem:$0x3F95];
	_ =	swait.ge [sflag:s4], $0x0  }
0x19: {  	s7 =	sld [smem:$0x3F96]  }
0x1a: {  	s8 =	sadd.s32 $0xFFFFE003, lr  }
0x1b: {  	s9 =	sadd.s32 $0xFFFFFEF7, lr;
	s5 =	simm.s32 $0xFFFFFFFF;
	p2 =	slt.u32 s8, $0xFFFFF086  }
0x1c: {  	p1 =	slt.u32 s9, $0xF7A;
	s5 =	simm.s32 @!p2 $0x0  }
0x1d: {  	s5 =	simm.s32 @p1 $0x1;
	p0 =	seq.s32 s7, s2  }
0x1e: {  	s7 =	smul.u32 @!p0 $0xF7A, s2;
	p2 =	seq.s32 @!p0 s5, $0x0  }
0x1f: {  	s9 =	smul.u32 $0xF7A, s1;
	s8 =	simm.s32 @!p0 $0x1BF5;
	p2 =	por !p2, p0  }
0x20: {  	[sflag:s8] =	ssyncset.s32 @!p0 $0xFFFFF086;
	s6 =	sadd.s32 @!p0 s3, s7;
	s7 =	simm.s32 @!p0 $0x108  }
0x21: {  	s3 =	sadd.s32 s3, s9;
	s6 =	sadd.s32 @!p0 $0x88, s6;
	s7 =	simm.s32 @p2 $0x1082  }
0x22: {  	[simem:s7], [sflag:s8] =	dma.local @!p0 [hbm:s6], $0xF7A  }
0x23: {  	s9 =	sor.u32 $0xD0000000, s2;
	s6 =	simm.s32 $0x108;
	_ =	swait.ge @!p0 [sflag:s8], $0x0  }
0x24: {  	s3 =	sadd.s32 $0x88, s3;
	s6 =	simm.s32 @!p1 $0x1082;
	[sflag:s4] =	ssyncset.s32 $0xFFFFF086  }
0x25: {  	[simem:s6], [sflag:s4] =	dma.local [hbm:s3], $0xF7A  }
0x26: {  	[smem:$0x3F96] =	sst s1;
	(tag) =	ssettag s2;
	_ =	strace s9  }
0x27: {  	s1 =	sld [smem:$0x3FA6]  }
0x28: {  	s2 =	sld [smem:$0x3FA7]  }
0x29: {  	s4 =	sld [smem:$0x3FA9]  }
0x2a: {  	p0 =	seq.s32 s5, $0x0;
	s5 =	sld [smem:$0x3FAA]  }
0x2b: {  	s6 =	sld [smem:$0x3FAB]  }
0x2c: {  	s7 =	sld [smem:$0x3FAC]  }
0x2d: {  	s3 =	simm.s32 $0x108;
	s8 =	sld [smem:$0x3FAD]  }
0x2e: {  	s3 =	simm.s32 @!p0 $0x1082;
	s9 =	sld [smem:$0x3FAE]  }
0x2f: {  	lr =	sadd.s32 s0, s3;
	s0 =	sld [smem:$0x3FA5]  }
0x30: {  	s3 =	sld [smem:$0x3FA8]  }
0x31: {  	[smem:$0x3FB1] =	sst s10  }
0x32: {  	s10 =	sld [smem:$0x3FAF];
	_ =	sdelay $0x3  }
0x33: {  	p0 =	seq.s32 s10, $0x1;
	s10 =	sld [smem:$0x3FB1];
	_ =	sdelay $0x3  }
0x34: {  	[smem:$0x3FB1] =	sst s10  }
0x35: {  	s10 =	sld [smem:$0x3FB0];
	_ =	sdelay $0x3  }
0x36: {  	p1 =	seq.s32 s10, $0x1;
	s10 =	sld [smem:$0x3FB1];
	_ =	sdelay $0x3  }
0x37: {  	[smem:$0x3FB1] =	sst s10  }
0x38: {  	s10 =	sld [smem:$0x3FB2]  }
0x39: {  	_ = 	snop;
	(pc) =	sbr.ind lr, $3  }
0x3a: {  	_ = 	snop  }
0x3b: {  	_ = 	snop  }
0x3c: {  	p2 =	seq.s32 s10, $0x1;
	s10 =	sld [smem:$0x3FB1]  }
0x3d: {  	_ =	shalt  }
0x3e: {  	_ =	shalt  }
0x3f: {  	_ =	shalt  }
0x40: {  	_ =	shalt  }
0x41: {  	_ =	shalt  }
0x42: {  	_ =	shalt  }
0x43: {  	_ =	shalt  }
0x44: {  	_ =	shalt  }
0x45: {  	_ =	shalt  }
0x46: {  	_ =	shalt  }
0x47: {  	_ =	shalt  }
0x48: {  	_ =	shalt  }
0x49: {  	_ =	shalt  }
0x4a: {  	_ =	shalt  }
0x4b: {  	_ =	shalt  }
0x4c: {  	_ =	shalt  }
0x4d: {  	_ =	shalt  }
0x4e: {  	_ =	shalt  }
0x4f: {  	_ =	shalt  }
0x50: {  	_ =	shalt  }
0x51: {  	_ =	shalt  }
0x52: {  	_ =	shalt  }
0x53: {  	_ =	shalt  }
0x54: {  	_ =	shalt  }
0x55: {  	_ =	shalt  }
0x56: {  	_ =	shalt  }
0x57: {  	_ =	shalt  }
0x58: {  	_ =	shalt  }
0x59: {  	_ =	shalt  }
0x5a: {  	_ =	shalt  }
0x5b: {  	_ =	shalt  }
0x5c: {  	_ =	shalt  }
0x5d: {  	_ =	shalt  }
0x5e: {  	_ =	shalt  }
0x5f: {  	_ =	shalt  }
0x60: {  	_ =	shalt  }
0x61: {  	_ =	shalt  }
0x62: {  	_ =	shalt  }
0x63: {  	_ =	shalt  }
0x64: {  	_ =	shalt  }
0x65: {  	_ =	shalt  }
0x66: {  	_ =	shalt  }
0x67: {  	_ =	shalt  }
0x68: {  	_ =	shalt  }
0x69: {  	_ =	shalt  }
0x6a: {  	_ =	shalt  }
0x6b: {  	_ =	shalt  }
0x6c: {  	_ =	shalt  }
0x6d: {  	_ =	shalt  }
0x6e: {  	_ =	shalt  }
0x6f: {  	_ =	shalt  }
0x70: {  	_ =	shalt  }
0x71: {  	_ =	shalt  }
0x72: {  	_ =	shalt  }
0x73: {  	_ =	shalt  }
0x74: {  	_ =	shalt  }
0x75: {  	_ =	shalt  }
0x76: {  	_ =	shalt  }
0x77: {  	_ =	shalt  }
0x78: {  	_ =	shalt  }
0x79: {  	_ =	shalt  }
0x7a: {  	_ =	shalt  }
0x7b: {  	_ =	shalt  }
0x7c: {  	_ =	shalt  }
0x7d: {  	_ =	shalt  }
0x7e: {  	_ =	shalt  }
0x7f: {  	_ =	shalt  }
0x80: {  	_ =	shalt  }
0x81: {  	_ =	shalt  }
0x82: {  	_ =	shalt  }
0x83: {  	_ =	shalt  }
0x84: {  	_ =	shalt  }
0x85: {  	_ =	shalt  }
0x86: {  	_ =	shalt  }
0x87: {  	_ =	shalt  }
.Lfunc_end0:
.L_simem_size_0:
called_computation.3_lowered:
.L_overlay_start_0:
0x88: {  	s2 =	sld [smem:$0x3FD9]  }
0x89: {  	s3 =	sld [smem:$0x3FFE];
	_ =	sdelay $0x1  }
0x8a: {  	s1 =	srdreg.scid  }
0x8b: {  	s0 =	sand.u32 $0x1, s1  }
0x8c: {  	s17 =	sshll.u32 s0, $0xA;
	s2 =	sadd.s32 s3, s2  }
0x8d: {  	s2 =	sadd.s32 s2, s17  }
0x8e: {  	[smem:$0x3FBD] =	sst s2  }
0x8f: {  	_ = 	snop  }
0x90: {  	s18 =	sld [smem:$0x3FC7];
	(tm) =	ssettm $0x1  }
0x91: {  	s19 =	sld [smem:$0x3FFB];
	_ =	sdelay $0x3  }
0x92: {  	_ =	strace s19  }
0x93: {  	s2 =	sld [smem:$0x3FFC];
	_ =	sdelay $0x3  }
0x94: {  	_ =	strace s2  }
0x95: {  	s2 =	sld [smem:$0x3FFD];
	_ =	sdelay $0x3  }
0x96: {  	_ =	strace s2  }
0x97: {  	_ =	strace $0x8FFFFFFF  }
0x98: {  	s20 =	sld [smem:$0x3FDB];
	_ =	sdelay $0x1  }
0x99: {  	s4 =	simm.s32 $_scs_section_size  }
0x9a: {  	s5 =	simm.s32 $_size__tile_overlayer_lowered;
	s6 =	simm.s32 $_tile_overlayer_lowered  }
0x9b: {  	s7 =	simm.s32 $0x1BFF;
	s21 =	sshll.u32 s6, $0x1;
	s4 =	sadd.s32 s4, s20  }
0x9c: {  	s22 =	simm.s32 $0x0;
	s5 =	sshll.u32 s5, $0x1;
	s6 =	sadd.s32 s21, s4  }
0x9d: {  	[timem:s22], [sflag:s7] =	dma.local [hbm:s6], s5  }
0x9e: {  	_ =	swait.ge [sflag:s7], s5  }
0x9f: {  	s5 =	ssub.s32 $0x0, s5;
	[sflag:s7] =	ssyncset.done $0x0  }
0xa0: {  	[sflag:s7] =	ssyncadd.s32 s5;
	_ =	sdelay $0x1  }
0xa1: {  	s23 =	simm.s32 $0x1B8B  }
0xa2: {  	_ =	swait.ge [sflag:s23], $0x1  }
0xa3: {  	[sflag:s23] =	ssyncset.done $0x0  }
0xa4: {  	[sflag:s23] =	ssyncadd.s32 $0xFFFFFFFF  }
0xa5: {  	s5 =	sld [smem:$0x0]  }
0xa6: {  	s6 =	sand.u32 $0xFFFFFFFE, s1  }
0xa7: {  	p0 =	sne.s32 s1, s6  }
0xa8: {  	s6 =	sshll.u32 @p0 s6, $0xE  }
0xa9: {  	s6 =	sadd.s32 @p0 $0x11B8D, s6;
	s7 =	sshll.u32 @p0 s5, $0x11  }
0xaa: {  	s6 =	sor.u32 @p0 s7, s6  }
0xab: {  	[sflag:s6] =	ssyncadd.remote.s32 @p0 $0x1;
	_ =	sdelay $0x1  }
0xac: {  	s6 =	simm.s32 @p0 $0x1B8D  }
0xad: {  	_ =	swait.eq @p0 [sflag:s6], $0x1  }
0xae: {  	[sflag:s6] =	ssyncadd.s32 @p0 $0xFFFFFFFF  }
0xaf: {  	s7 =	sshll.u32 @!p0 s1, $0xE  }
0xb0: {  	s7 =	sor.u32 @!p0 $0x4000, s7;
	s6 =	simm.s32 @!p0 $0x1B8D  }
0xb1: {  	s5 =	sshll.u32 @!p0 s5, $0x11;
	s7 =	sadd.s32 @!p0 $0x11B8D, s7;
	_ =	swait.eq @!p0 [sflag:s6], $0x1  }
0xb2: {  	s5 =	sor.u32 @!p0 s5, s7;
	[sflag:s6] =	ssyncadd.s32 @!p0 $0xFFFFFFFF  }
0xb3: {  	s25 =	simm.s32 $0x1B8E;
	s24 =	sld [smem:$0x3FFE];
	[sflag:s5] =	ssyncadd.remote.s32 @!p0 $0x1  }
0xb4: {  	s26 =	simm.s32 $execute0_lowered;
	[smem:$0x3FD2] =	sst s25  }
0xb5: {  	s6 =	sshll.u32 s26, $0x1;
	_ =	strace $0x80000056;
	[dreg:$0x1] =	wrdreg $0xFFFFFFFF  }
0xb6: {  	s28 =	simm.s32 $_size_execute0_lowered;
	s4 =	sadd.s32 s4, s6;
	[dreg:$0x0] =	wrdreg $0x0  }
0xb7: {  	s6 =	sshll.u32 s28, $0x1;
	[dreg:$0x2] =	wrdreg s4  }
0xb8: {  	[dreg:$0x3] =	wrdreg s6  }
0xb9: {  	[dreg:$0x4] =	wrdreg $0xC0  }
0xba: {  	_ =	task [dreg:s22], $0x5FFFF  }
0xbb: {  	[dreg:$0x1] =	wrdreg $0xFFFFFFFF  }
0xbc: {  	[dreg:$0x0] =	wrdreg $0x60  }
0xbd: {  	[dreg:$0x2] =	wrdreg s18  }
0xbe: {  	[dreg:$0x3] =	wrdreg s24  }
0xbf: {  	[dreg:$0x4] =	wrdreg $0xA  }
0xc0: {  	_ =	task.clear_ibuf [dreg:s22], $0x5FFFF;
	_ =	strace $0x90000056  }
0xc1: {  	s29 =	simm.s32 $0xA;
	_ =	strace $0x8000005F  }
0xc2: {  	_ =	swait.ge [sflag:s29], $0x1  }
0xc3: {  	[sflag:s29] =	ssyncadd.s32 $0xFFFFFFFF  }
0xc4: {  	_ =	strace $0x9000005F  }
0xc5: {  	_ =	sfence  }
0xc6: {  	s30 =	sld [smem:$0x0];
	_ =	sdelay $0x2  }
0xc7: {  	s31 =	sshll.u32 s1, $0xD;
	s1 =	sshrl.u32 s1, $0x2  }
0xc8: {  	s4 =	sand.u32 $0x4000, s31;
	s1 =	sadd.s32 s1, s30  }
0xc9: {  	s0 =	sor.u32 s4, s0;
	s1 =	sshll.u32 s1, $0x11  }
0xca: {  	s0 =	sor.u32 s1, s0  }
0xcb: {  	s0 =	sadd.s32 $0x8F2B, s0  }
0xcc: {  	[sflag:s0] =	ssyncadd.remote.s32 $0x1  }
0xcd: {  	_ =	sfence.sel $0xFFFF  }
0xce: {  	[dreg:$0x0] =	wrdreg $0xFFFFFFFF;
	(pc) =	sbr.abs _section_cstart, $3  }
0xcf: {  	[dreg:$0x1] =	wrdreg $0xFFFFFFFF  }
0xd0: {  	_ =	task.clear_ibuf [dreg:s22], $0x2FFFF;
	_ =	strace $0x9FFFFFFF  }
0xd1: {  	(tm) =	ssettm $0x7FFFFFFF  }
tec
execute0_lowered:
.L_overlay_start_1:
0x0: {  	(tag) =	ssettag $0x1  }
0x1: {  	s0 =	rddreg [dreg:$0x0]  }
0x2: {  	s3 =	rddreg [dreg:$0x1];
	s1 =	srdreg.scid  }
0x3: {  	s2 =	simm.s32 $0x0;
	s8 =	simm.s32 $0x80;
	[dreg:$0x3] =	wrdreg s0  }
0x4: {  	s9 =	simm.s32 $0x0;
	s0 =	rddreg [dreg:$0x2];
	s4 =	sand.u32 $0x1, s1  }
0x5: {  	[smem:$0x7FF] =	sst s2;
	s1 =	stileid.u32;
	s6 =	sadd.s32 $0x383800, s3  }
0x6: {  	s3 =	sadd.s32 $0x2A00, s3;
	s5 =	sshll.u32 s4, $0x4;
	_ =	strace $0x80000057  }
0x7: {  	s4 =	ssub.s32 $0x2, s4;
	[dreg:$0x5] =	wrdreg s6;
	s5 =	sor.u32 s1, s5  }
0x8: {  	[dreg:$0x4] =	wrdreg s8;
	s31 =	sshrl.u32 s4, $0x1;
	s7 =	smul.u32 $0x980, s5  }
0x9: {  	s8 =	simm.s32 $0x5;
	s6 =	ssub.s32 s4, s31;
	s4 =	smul.u32 $0x98, s5  }
0xa: {  	s6 =	smax.u32 s6, $0x1;
	s5 =	sadd.s32 s3, s7;
	s7 =	simm.s32 $0x1  }
.LBB2_1:
0xb: {  	_ =	strace $0x80000058;
	s10 =	simm.s32 $0x1;
	p0 =	por $0x0, $0x0  }
0xc: {  	[tilespmem:s2], [sflag:$0x1] =	stream.linear.gather [hbm4b:s5+s2], $0x80, $0x200038;
	[tilespmem:$0x8100] =	vst v63  }
0xd: {  	s10 =	simm.s32 @p0 $0x0  }
0xe: {  	p4 =	por $0x1, $0x1;
	s19 =	sand.u32 $0x1, s2;
	p1 =	sne.s32 s10, $0x0  }
0xf: {  	p2 =	por $0x1, $0x1;
	s17 =	simm.s32 $0x96;
	p0 =	por !p4, !p1  }
0x10: {  	s15 =	simm.s32 $0x0;
	p5 =	por $0x0, $0x0;
	p0 =	por !p0, !p0  }
0x11: {  	s22 =	sadd.s32 $0x0, s4;
	s30 =	sadd.s32 $0x1, s19;
	s11 =	sadd.s32 @p0 s4, s10  }
0x12: {  	_ =	strace $0x90000058;
	s12 =	sand.u32 @p0 $0x1, s7;
	s11 =	sshll.u32 @p0 s11, $0x4  }
0x13: {  	_ =	strace @p0 $0x80000059;
	s14 =	simm.s32 @p0 $0x0;
	s11 =	sand.u32 @p0 $0x1FFFFFF0, s11  }
0x14: {  	s13 =	sshll.u32 @p0 s12, $0x7;
	s12 =	sadd.s32 @p0 $0x1, s12;
	s11 =	sadd.s32 @p0 s3, s11  }
0x15: {  	[tilespmem:s13], [sflag:s12] =	stream.linear.gather @p0 [hbm4b:s11+s14], $0x80, $0x200038;
	[tilespmem:$0x8100] =	vst v63  }
0x16: {  	p3 =	por p2, p2;
	s20 =	sshll.u32 s19, $0xE;
	_ =	strace @p0 $0x90000059  }
0x17: {  	s15 =	sand.u32 $0x80, s15;
	p2 =	por p5, p5;
	_ =	strace $0x8000005A  }
0x18: {  	s16 =	sadd.s32 $0x1, s10;
	s21 =	sor.u32 $0x100, s20;
	_ =	swait.ge [sflag:s30], $0x80  }
0x19: {  	s20 =	simm.s32 $0x1;
	p6 =	por p1, p1;
	[sflag:s30] =	ssyncset.done $0x0  }
0x1a: {  	p1 =	por p3, p3;
	p4 =	por $0x1, $0x1;
	[sflag:s30] =	ssyncadd.s32 $0xFFFFFF80  }
0x1b: {  	s11 =	simm.s32 $0x97;
	s14 =	sand.u32 @!p3 $0x1, s2;
	_ =	strace $0x9000005A  }
0x1c: {  	s12 =	simm.s32 $0x1;
	p3 =	seq.s32 s16, $0x98;
	_ =	strace $0x8000005B  }
0x1d: {  	s12 =	simm.s32 @!p0 $0x0;
	s16 =	simm.s32 @p3 $0x0;
	s18 =	rddreg [dreg:$0x4]  }
0x1e: {  	p0 =	por $0x0, $0x0;
	s13 =	sadd.s32 $0x1, s12;
	s31 =	rddreg [dreg:$0x3]  }
0x1f: {  	[tilespmem:s21], [sflag:$0x5] =	stream.indirect.gather [hbm4b:s31+s18], $0x80, s15, s18, $0x2000b8;
	[tilespmem:$0x8100] =	vst v63  }
0x20: {  	p3 =	sne.s32 s10, s16;
	s20 =	simm.s32 @!p0 $0x0;
	_ =	swait.ge [sflag:s8], $0x4000  }
0x21: {  	p5 =	por !p4, !p3;
	p4 =	por $0x0, $0x0;
	[sflag:s8] =	ssyncset.done $0x0  }
0x22: {  	s12 =	simm.s32 $0x0;
	p6 =	por p4, p6;
	[sflag:s8] =	ssyncadd.s32 $0xFFFFC000  }
0x23: {  	s15 =	simm.s32 $0x0;
	s18 =	simm.s32 $0x0;
	_ =	strace $0x9000005B  }
.LBB2_2:
0x24: {  	_ =	strace @p6 $0x8000005C;
	s30 =	smov.u32 s11  }
0x25: {  	s11 =	smov.u32 s17;
	s17 =	sadd.s32 $0xFFFFFFFF, s17;
	p0 =	por p3, p3  }
0x26: {  	s26 =	sshll.u32 @p6 s22, $0xB;
	s19 =	sadd.s32 @p6 $0x3, s19;
	s23 =	simm.s32 @!p0 $0x0  }
0x27: {  	s24 =	rddreg [dreg:$0x5];
	s26 =	sand.u32 @p6 $0x1FFFF800, s26;
	s23 =	simm.s32 @p0 $0x1  }
0x28: {  	s24 =	sadd.s32 @p6 s24, s26;
	s26 =	simm.s32 @p6 $0x0;
	p0 =	sne.s32 s17, $0x0  }
0x29: {  	[hbm4b:s24+s26] =	stream.linear.scatter @p6 [tilespmem:s21], [sflag:s19], $0x4000, $0x200038;
	[tilespmem:$0x8100] =	vst v63  }
0x2a: {  	s12 =	sadd.s32 s20, s12;
	s19 =	sadd.s32 @!p1 $0x3, s14;
	s14 =	simm.s32 @!p0 $0x0  }
0x2b: {  	s25 =	simm.s32 $0x1;
	[smem:$0x7FC] =	sst s23;
	s14 =	simm.s32 @p0 $0x1  }
0x2c: {  	s25 =	simm.s32 @!p6 $0x0;
	_ =	strace @p6 $0x9000005C;
	[smem:$0x7FD] =	sst s14  }
0x2d: {  	p5 =	por !p5, !p5;
	s18 =	sadd.s32 s25, s18;
	_ =	strace @!p1 $0x8000005D  }
0x2e: {  	s23 =	sand.u32 @!p2 $0x1, s12;
	s21 =	sand.u32 @p5 $0x1, s13;
	_ =	swait.ge @!p1 [sflag:s19], $0x4000  }
0x2f: {  	s14 =	smov.u32 s23;
	s23 =	sadd.s32 @p5 s4, s16;
	[sflag:s19] =	ssyncset.done @!p1 $0x0  }
0x30: {  	s24 =	sshll.u32 @p5 s21, $0x7;
	s23 =	sshll.u32 @p5 s23, $0x4;
	[sflag:s19] =	ssyncadd.s32 @!p1 $0xFFFFC000  }
0x31: {  	s19 =	sadd.s32 @p5 $0x1, s21;
	s21 =	sand.u32 @p5 $0x1FFFFFF0, s23;
	_ =	strace @!p1 $0x9000005D  }
0x32: {  	s23 =	simm.s32 @p5 $0x0;
	s21 =	sadd.s32 @p5 s3, s21;
	_ =	strace @p5 $0x80000059  }
0x33: {  	[tilespmem:s24], [sflag:s19] =	stream.linear.gather @p5 [hbm4b:s21+s23], $0x80, $0x200038;
	[tilespmem:$0x8100] =	vst v63  }
0x34: {  	s15 =	sadd.s32 s25, s15;
	s25 =	sand.u32 $0x1, s18;
	_ =	strace @p5 $0x90000059  }
0x35: {  	s23 =	sadd.s32 $0x1, s25;
	_ =	strace $0x8000005A  }
0x36: {  	_ =	swait.ge [sflag:s23], $0x80  }
0x37: {  	[sflag:s23] =	ssyncset.done $0x0  }
0x38: {  	s19 =	simm.s32 $0x1;
	[sflag:s23] =	ssyncadd.s32 $0xFFFFFF80  }
0x39: {  	s19 =	simm.s32 @!p5 $0x0;
	_ =	strace $0x9000005A  }
0x3a: {  	s13 =	sadd.s32 s19, s13;
	s19 =	sand.u32 $0x1, s15;
	_ =	strace $0x8000005B  }
0x3b: {  	s31 =	sshll.u32 s18, $0x7;
	s24 =	sshll.u32 s19, $0xE;
	s25 =	rddreg [dreg:$0x4]  }
0x3c: {  	s29 =	sand.u32 $0x80, s31;
	s21 =	sor.u32 $0x100, s24;
	s26 =	rddreg [dreg:$0x3]  }
0x3d: {  	[tilespmem:s21], [sflag:$0x5] =	stream.indirect.gather [hbm4b:s26+s25], $0x80, s29, s25, $0x2000b8;
	[tilespmem:$0x8100] =	vst v63  }
0x3e: {  	_ =	swait.ge [sflag:s8], $0x4000  }
0x3f: {  	[sflag:s8] =	ssyncset.done $0x0  }
0x40: {  	s28 =	sadd.s32 $0x1, s16;
	[sflag:s8] =	ssyncadd.s32 $0xFFFFC000  }
0x41: {  	s22 =	sadd.s32 s4, s10;
	s10 =	smov.u32 s16;
	_ =	strace $0x9000005B  }
0x42: {  	p3 =	seq.s32 s28, $0x98;
	s16 =	smov.u32 s28;
	s31 =	sld [smem:$0x7FD]  }
0x43: {  	s20 =	simm.s32 $0x1;
	s16 =	simm.s32 @p3 $0x0  }
0x44: {  	p6 =	sne.s32 s11, $0x1;
	p0 =	sne.s32 s30, $0x98;
	p3 =	sne.s32 s10, s16  }
0x45: {  	s20 =	simm.s32 @!p0 $0x0;
	p5 =	por !p6, !p3;
	p0 =	seq.s32 s31, $0x1  }
.Ltmp0:
0x46: {  	p6 =	seq.s32 s30, $0x1;
	s30 =	sld [smem:$0x7FC];
	(pc) =	sbr.rel @p0 .LBB2_2-.Ltmp0, $4  }
0x47: {  	_ = 	snop  }
0x48: {  	p4 =	seq.s32 s11, $0x98  }
0x49: {  	p1 =	por p2, p2;
	p2 =	por p4, p4;
	p4 =	seq.s32 s30, $0x1  }
0x4a: {  	p6 =	por p6, p4  }
0x4b: {  	_ =	strace @p6 $0x8000005C;
	s22 =	sshll.u32 @p6 s22, $0xB  }
0x4c: {  	s17 =	rddreg [dreg:$0x5];
	s22 =	sand.u32 @p6 $0x1FFFF800, s22  }
0x4d: {  	s19 =	sadd.s32 @p6 $0x3, s19;
	s17 =	sadd.s32 @p6 s17, s22;
	s22 =	simm.s32 @p6 $0x0  }
0x4e: {  	[hbm4b:s17+s22] =	stream.linear.scatter @p6 [tilespmem:s21], [sflag:s19], $0x4000, $0x200038;
	[tilespmem:$0x8100] =	vst v63  }
0x4f: {  	p0 =	por !p5, !p5;
	_ =	strace @p6 $0x9000005C  }
0x50: {  	s14 =	sadd.s32 @!p1 $0x3, s14;
	s16 =	sadd.s32 @p0 s4, s16;
	_ =	strace @!p1 $0x8000005D  }
0x51: {  	s13 =	sand.u32 @p0 $0x1, s13;
	s16 =	sshll.u32 @p0 s16, $0x4;
	_ =	swait.ge @!p1 [sflag:s14], $0x4000  }
0x52: {  	s17 =	simm.s32 $0x1;
	s19 =	sshll.u32 @p0 s13, $0x7;
	[sflag:s14] =	ssyncset.done @!p1 $0x0  }
0x53: {  	s13 =	sadd.s32 @p0 $0x1, s13;
	s17 =	simm.s32 @!p6 $0x0;
	[sflag:s14] =	ssyncadd.s32 @!p1 $0xFFFFC000  }
0x54: {  	s18 =	sadd.s32 s17, s18;
	s14 =	sand.u32 @p0 $0x1FFFFFF0, s16;
	_ =	strace @!p1 $0x9000005D  }
0x55: {  	s16 =	simm.s32 @p0 $0x0;
	s14 =	sadd.s32 @p0 s3, s14;
	_ =	strace @p0 $0x80000059  }
0x56: {  	[tilespmem:s19], [sflag:s13] =	stream.linear.gather @p0 [hbm4b:s14+s16], $0x80, $0x200038;
	[tilespmem:$0x8100] =	vst v63  }
0x57: {  	s24 =	sand.u32 $0x1, s18;
	_ =	strace @p0 $0x90000059  }
0x58: {  	s13 =	sadd.s32 $0x1, s24;
	_ =	strace $0x8000005A  }
0x59: {  	_ =	swait.ge [sflag:s13], $0x80  }
0x5a: {  	[sflag:s13] =	ssyncset.done $0x0  }
0x5b: {  	[sflag:s13] =	ssyncadd.s32 $0xFFFFFF80  }
0x5c: {  	s25 =	sadd.s32 s17, s15;
	_ =	strace $0x9000005A  }
0x5d: {  	s13 =	sand.u32 $0x1, s25;
	_ =	strace $0x8000005B  }
0x5e: {  	s29 =	sshll.u32 s18, $0x7;
	s30 =	sshll.u32 s13, $0xE;
	s26 =	rddreg [dreg:$0x4]  }
0x5f: {  	s16 =	sand.u32 $0x80, s29;
	s17 =	sor.u32 $0x100, s30;
	s28 =	rddreg [dreg:$0x3]  }
0x60: {  	[tilespmem:s17], [sflag:$0x5] =	stream.indirect.gather [hbm4b:s28+s26], $0x80, s16, s26, $0x2000b8;
	[tilespmem:$0x8100] =	vst v63  }
0x61: {  	_ =	swait.ge [sflag:s8], $0x4000  }
0x62: {  	[sflag:s8] =	ssyncset.done $0x0  }
0x63: {  	p5 =	por p3, p3;
	p6 =	seq.s32 s11, $0x1;
	[sflag:s8] =	ssyncadd.s32 $0xFFFFC000  }
0x64: {  	s10 =	sadd.s32 s4, s10;
	p0 =	por p6, p5;
	_ =	strace $0x9000005B  }
0x65: {  	s10 =	sshll.u32 @p0 s10, $0xB;
	_ =	strace @p0 $0x8000005C  }
0x66: {  	s12 =	sadd.s32 s20, s12;
	s10 =	sand.u32 @p0 $0x1FFFF800, s10;
	s14 =	rddreg [dreg:$0x5]  }
0x67: {  	s13 =	sadd.s32 @p0 $0x3, s13;
	s10 =	sadd.s32 @p0 s14, s10;
	s14 =	simm.s32 @p0 $0x0  }
0x68: {  	[hbm4b:s10+s14] =	stream.linear.scatter @p0 [tilespmem:s17], [sflag:s13], $0x4000, $0x200038;
	[tilespmem:$0x8100] =	vst v63  }
0x69: {  	p1 =	por p2, p2;
	s10 =	sand.u32 @!p2 $0x1, s12;
	_ =	strace @p0 $0x9000005C  }
0x6a: {  	s10 =	sadd.s32 @!p1 $0x3, s10;
	_ =	strace @!p1 $0x8000005D  }
0x6b: {  	p0 =	sne.s32 s11, $0x98;
	s11 =	simm.s32 $0x1;
	_ =	swait.ge @!p1 [sflag:s10], $0x4000  }
0x6c: {  	s11 =	simm.s32 @!p0 $0x0;
	[sflag:s10] =	ssyncset.done @!p1 $0x0  }
0x6d: {  	s9 =	sadd.s32 $0x1, s9;
	s11 =	sadd.s32 s11, s12;
	[sflag:s10] =	ssyncadd.s32 @!p1 $0xFFFFC000  }
0x6e: {  	p0 =	sne.s32 s9, s6;
	s31 =	sand.u32 $0x1, s11;
	_ =	strace @!p1 $0x9000005D  }
.Ltmp1:
0x6f: {  	s10 =	sadd.s32 $0x3, s31;
	_ =	strace $0x8000005E;
	(pc) =	sbr.rel @p0 .LBB2_1-.Ltmp1, $4  }
0x70: {  	_ =	swait.ge [sflag:s10], $0x4000  }
0x71: {  	[sflag:s10] =	ssyncset.done $0x0  }
0x72: {  	[sflag:s10] =	ssyncadd.s32 $0xFFFFC000  }
0x73: {  	_ =	strace $0x9000005E  }
0x74: {  	_ =	sfence.sel $0x180000  }
0x75: {  	[bflag:$0x0] =	sbarrier.arrive $0xFFFF  }
0x76: {  	p0 =	sne.s32 s1, $0x0;
	_ =	strace $0x90000057  }
0x77: {  	s0 =	sadd.s32 @!p0 $0x100000, s0;
	[bflag:$0x2] =	sbarrier.arrive $0xFFFF  }
0x78: {  	[sflag:s0] =	ssyncadd.tile.s32 @!p0 $0x1;
	_ =	shalt  }
.Lfunc_end2:
_tile_overlayer_lowered:
.L_overlay_start_2:
0x79: {  	(tag) =	ssettag $0x2  }
0x7a: {  	s0 =	rddreg [dreg:$0x0];
	s2 =	stileid.u32  }
0x7b: {  	s1 =	rddreg [dreg:$0x1];
	p0 =	sne.s32 s2, $0x0  }
0x7c: {  	s3 =	rddreg [dreg:$0x2];
	[bflag:$0x3] =	sbarrier.arrive $0xFFFF;
	s2 =	simm.s32 @!p0 $0x1C01  }
0x7d: {  	[timem:s3], [sflag:s2] =	dma.local @!p0 [hbm:s0], s1  }
0x7e: {  	s0 =	simm.s32 @!p0 $0x1  }
0x7f: {  	_ =	swait.ge @!p0 [sflag:s0], s1  }
0x80: {  	s1 =	ssub.s32 @!p0 $0x0, s1;
	[sflag:s0] =	ssyncset.done @!p0 $0x0  }
0x81: {  	[sflag:s0] =	ssyncadd.s32 @!p0 s1  }
0x82: {  	[bflag:$0x3] =	sbarrier.arrive $0xFFFF  }
0x83: {  	_ =	shalt  }

</sc_bundles>
